<compile_context>
chip_gen: v7x
topology: tpu7x:2x2x1
jax: 0.10.2.dev20260603
libtpu: 0.0.44.dev20260713+nightly
codegen_flags: <defaults>
</compile_context>

<pallas_src>
import functools

import jax
import jax.numpy as jnp
from jax import lax
from jax.experimental import pallas as pl
from jax.experimental.pallas import tpu as pltpu
from jax.experimental.pallas import tpu_sc as plsc

N_GRAPH = 64
N_NODE = 128
N_FEAT = 9
HIDDEN = 768
HHID = HIDDEN // 2
BLANES = 32
NC = 2
NS = 16
GPT = N_GRAPH // NS
C = 8
NCHUNK = N_NODE // C
NT = GPT * NCHUNK
AROWS_PC = C * N_FEAT
XIDX_PT = GPT * N_NODE * N_FEAT
DIDX_PT = GPT * N_NODE
NBUF = 2

N_ATOM = 4609
N_DEG = 512
ATOM_RPT = 288
DEG_RPT = N_DEG // NS


def _build_kernel():
    mesh = plsc.VectorSubcoreMesh(core_axis_name="c", subcore_axis_name="s")

    @functools.partial(
        pl.kernel,
        mesh=mesh,
        compiler_params=pltpu.CompilerParams(use_tc_tiling_on_sc=False),
        out_type=jax.ShapeDtypeStruct((N_GRAPH, N_NODE + 1, HIDDEN),
                                      jnp.bfloat16),
        scratch_types=[
            pltpu.VMEM((XIDX_PT,), jnp.int32),
            pltpu.VMEM((DIDX_PT,), jnp.int32),
            pltpu.VMEM((DIDX_PT,), jnp.int32),
            pltpu.VMEM((NBUF, AROWS_PC, HHID), jnp.bfloat16),
            pltpu.VMEM((NBUF, C, HHID), jnp.bfloat16),
            pltpu.VMEM((NBUF, C, HHID), jnp.bfloat16),
            pltpu.VMEM((NBUF, C, HHID), jnp.bfloat16),
            pltpu.VMEM((1, HHID), jnp.bfloat16),
            pltpu.VMEM_SHARED((N_ATOM, HHID), jnp.bfloat16),
            pltpu.VMEM_SHARED((N_DEG, HHID), jnp.bfloat16),
            pltpu.VMEM_SHARED((N_DEG, HHID), jnp.bfloat16),
            pltpu.SemaphoreType.DMA,
            pltpu.SemaphoreType.DMA,
            pltpu.SemaphoreType.DMA,
            pltpu.SemaphoreType.DMA,
            pltpu.SemaphoreType.DMA,
        ],
    )
    def k(x_hbm, ind_hbm, outd_hbm, atom_hbm, int_hbm, outt_hbm, tok_hbm,
          out_hbm,
          xidxv, iidxv, oidxv, abuf, ibuf, obuf, rbuf, tokv,
          spa, spi, spo,
          sem_p, sem_g0, sem_g1, sem_o0, sem_o1):
        cid = lax.axis_index("c")
        sid = lax.axis_index("s")
        sem_g = (sem_g0, sem_g1)
        sem_o = (sem_o0, sem_o1)
        col0 = cid * HHID

        ar0 = sid * ATOM_RPT
        dr0 = sid * DEG_RPT
        pltpu.async_copy(atom_hbm.at[pl.ds(ar0, ATOM_RPT), pl.ds(col0, HHID)],
                         spa.at[pl.ds(ar0, ATOM_RPT)], sem_p)
        pltpu.async_copy(int_hbm.at[pl.ds(dr0, DEG_RPT), pl.ds(col0, HHID)],
                         spi.at[pl.ds(dr0, DEG_RPT)], sem_p)
        pltpu.async_copy(outt_hbm.at[pl.ds(dr0, DEG_RPT), pl.ds(col0, HHID)],
                         spo.at[pl.ds(dr0, DEG_RPT)], sem_p)

        @pl.when(sid == 0)
        def _():
            pltpu.async_copy(
                atom_hbm.at[pl.ds(N_ATOM - 1, 1), pl.ds(col0, HHID)],
                spa.at[pl.ds(N_ATOM - 1, 1)], sem_p)

        pltpu.async_copy(x_hbm.at[pl.ds(sid * XIDX_PT, XIDX_PT)], xidxv,
                         sem_p)
        pltpu.async_copy(ind_hbm.at[pl.ds(sid * DIDX_PT, DIDX_PT)], iidxv,
                         sem_p)
        pltpu.async_copy(outd_hbm.at[pl.ds(sid * DIDX_PT, DIDX_PT)], oidxv,
                         sem_p)
        pltpu.async_copy(tok_hbm.at[pl.ds(0, 1), pl.ds(col0, HHID)], tokv,
                         sem_p)

        pltpu.make_async_copy(
            atom_hbm.at[pl.ds(0, ATOM_RPT), pl.ds(0, HHID)],
            spa.at[pl.ds(0, ATOM_RPT)], sem_p).wait()
        pltpu.make_async_copy(
            int_hbm.at[pl.ds(0, DEG_RPT), pl.ds(0, HHID)],
            spi.at[pl.ds(0, DEG_RPT)], sem_p).wait()
        pltpu.make_async_copy(
            outt_hbm.at[pl.ds(0, DEG_RPT), pl.ds(0, HHID)],
            spo.at[pl.ds(0, DEG_RPT)], sem_p).wait()
        pltpu.make_async_copy(x_hbm.at[pl.ds(0, XIDX_PT)], xidxv, sem_p).wait()
        pltpu.make_async_copy(ind_hbm.at[pl.ds(0, DIDX_PT)], iidxv,
                              sem_p).wait()
        pltpu.make_async_copy(outd_hbm.at[pl.ds(0, DIDX_PT)], oidxv,
                              sem_p).wait()
        pltpu.make_async_copy(tok_hbm.at[pl.ds(0, 1), pl.ds(0, HHID)], tokv,
                              sem_p).wait()

        @pl.when(sid == 0)
        def _():
            pltpu.make_async_copy(
                atom_hbm.at[pl.ds(0, 1), pl.ds(0, HHID)],
                spa.at[pl.ds(0, 1)], sem_p).wait()

        plsc.subcore_barrier()

        for gl in range(GPT):
            g = sid * GPT + gl
            pltpu.async_copy(tokv,
                             out_hbm.at[g, pl.ds(0, 1), pl.ds(col0, HHID)],
                             sem_p)

        def fire_gather(t, b):
            pltpu.async_copy(
                spa.at[xidxv.at[pl.ds(t * AROWS_PC, AROWS_PC)]],
                abuf.at[b], sem_g[b])
            pltpu.async_copy(
                spi.at[iidxv.at[pl.ds(t * C, C)]], ibuf.at[b], sem_g[b])
            pltpu.async_copy(
                spo.at[oidxv.at[pl.ds(t * C, C)]], obuf.at[b], sem_g[b])

        def do_chunk(t, b):
            pltpu.make_async_copy(
                spa.at[xidxv.at[pl.ds(0, AROWS_PC)]],
                abuf.at[b], sem_g[b]).wait()
            pltpu.make_async_copy(
                spi.at[iidxv.at[pl.ds(0, C)]], ibuf.at[b], sem_g[b]).wait()
            pltpu.make_async_copy(
                spo.at[oidxv.at[pl.ds(0, C)]], obuf.at[b], sem_g[b]).wait()

            @pl.when(t + NBUF - 1 < NT)
            def _():
                fire_gather(t + NBUF - 1, (b + NBUF - 1) % NBUF)

            @pl.when(t >= NBUF)
            def _():
                pltpu.make_async_copy(
                    rbuf.at[b],
                    out_hbm.at[0, pl.ds(0, C), pl.ds(0, HHID)],
                    sem_o[b]).wait()

            @pl.loop(0, C)
            def _node(i):
                @pl.loop(0, HHID // BLANES)
                def _col(j):
                    col = j * BLANES
                    acc = abuf[b, i * N_FEAT, pl.ds(col, BLANES)]
                    for f in range(1, N_FEAT):
                        acc = acc + abuf[b, i * N_FEAT + f,
                                         pl.ds(col, BLANES)]
                    acc = acc + ibuf[b, i, pl.ds(col, BLANES)]
                    acc = acc + obuf[b, i, pl.ds(col, BLANES)]
                    rbuf[b, i, pl.ds(col, BLANES)] = acc

            g = sid * GPT + lax.div(t, NCHUNK)
            node0 = lax.rem(t, NCHUNK) * C
            pltpu.async_copy(
                rbuf.at[b],
                out_hbm.at[g, pl.ds(1 + node0, C), pl.ds(col0, HHID)],
                sem_o[b])

        for b in range(NBUF - 1):
            fire_gather(b, b)

        @pl.loop(0, NT, step=NBUF)
        def _ring(t0):
            for b in range(NBUF):
                do_chunk(t0 + b, b)

        for b in range(NBUF):
            pltpu.make_async_copy(
                rbuf.at[b], out_hbm.at[0, pl.ds(0, C), pl.ds(0, HHID)],
                sem_o[b]).wait()
        for _ in range(GPT):
            pltpu.make_async_copy(
                tokv, out_hbm.at[0, pl.ds(0, 1), pl.ds(0, HHID)],
                sem_p).wait()

    return k


_KERNEL = _build_kernel()


def kernel(x, in_degree, out_degree, atom_table, in_deg_table, out_deg_table,
           graph_token):
    out = _KERNEL(x.reshape(-1).astype(jnp.int32),
                  in_degree.reshape(-1).astype(jnp.int32),
                  out_degree.reshape(-1).astype(jnp.int32),
                  atom_table.astype(jnp.bfloat16),
                  in_deg_table.astype(jnp.bfloat16),
                  out_deg_table.astype(jnp.bfloat16),
                  graph_token.astype(jnp.bfloat16))
    return out.astype(jnp.float32)

# --- scband reference (transcript-rebuilt; emitter-appended) ---
"""Pipeline reference for scband-graph-node-feature-78091095375901 (READ-ONLY COPY).

The authoritative reference and input builder live on the scoring server;
editing this copy changes nothing except your own understanding.
"""

import jax, jax.numpy as jnp
import numpy as np

NUM_ATOMS = 4608
NUM_IN_DEGREE = 512
NUM_OUT_DEGREE = 512
HIDDEN_DIM = 768
N_GRAPH = 64
N_NODE = 128
N_FEAT = 9


def setup_inputs(seed: int = 0) -> dict:
    key = jax.random.key(seed)
    k1, k2, k3, k4, k5, k6, k7 = jax.random.split(key, 7)
    x = jax.random.randint(k1, (N_GRAPH, N_NODE, N_FEAT), 0, NUM_ATOMS, dtype=jnp.int64 if jax.config.jax_enable_x64 else jnp.int32)
    in_degree = jax.random.randint(k2, (N_GRAPH, N_NODE), 0, NUM_IN_DEGREE, dtype=x.dtype)
    out_degree = jax.random.randint(k3, (N_GRAPH, N_NODE), 0, NUM_OUT_DEGREE, dtype=x.dtype)
    atom_table = jax.random.normal(k4, (NUM_ATOMS + 1, HIDDEN_DIM), dtype=jnp.float32) * 0.02
    atom_table = atom_table.at[0].set(0.0)  # padding_idx=0
    in_deg_table = jax.random.normal(k5, (NUM_IN_DEGREE, HIDDEN_DIM), dtype=jnp.float32) * 0.02
    in_deg_table = in_deg_table.at[0].set(0.0)
    out_deg_table = jax.random.normal(k6, (NUM_OUT_DEGREE, HIDDEN_DIM), dtype=jnp.float32) * 0.02
    out_deg_table = out_deg_table.at[0].set(0.0)
    graph_token = jax.random.normal(k7, (1, HIDDEN_DIM), dtype=jnp.float32) * 0.02
    return {
        "x": x,
        "in_degree": in_degree,
        "out_degree": out_degree,
        "atom_table": atom_table,
        "in_deg_table": in_deg_table,
        "out_deg_table": out_deg_table,
        "graph_token": graph_token,
    }


def reference(x, in_degree, out_degree, atom_table, in_deg_table, out_deg_table, graph_token):
    n_graph = x.shape[0]
    # atom_encoder(x).sum(dim=-2): gather [B, N, F, H] then sum over feature axis
    node_feature = jnp.take(atom_table, x, axis=0).sum(axis=-2)
    node_feature = node_feature + jnp.take(in_deg_table, in_degree, axis=0)
    node_feature = node_feature + jnp.take(out_deg_table, out_degree, axis=0)
    # graph token: weight [1, H] -> [B, 1, H]
    graph_token_feature = jnp.broadcast_to(graph_token[None, :, :], (n_graph, 1, graph_token.shape[-1]))
    graph_node_feature = jnp.concatenate([graph_token_feature, node_feature], axis=1)
    return graph_node_feature

if __name__ == "__main__":
    import jax
    _d = setup_inputs()
    print(jax.jit(kernel)(*tuple(_d.values())))

</pallas_src>

<mosaic_0001>
#map = affine_map<(d0, d1) -> (0)>
#map1 = affine_map<(d0, d1) -> (0, 0)>
#map2 = affine_map<(d0, d1) -> (0, 0, 0)>
module attributes {stable_mosaic.version = 14 : i64} {
  func.func @k(%arg0: i32, %arg1: i32, %arg2: memref<73728xi32, #tpu.memory_space<hbm>>, %arg3: memref<8192xi32, #tpu.memory_space<hbm>>, %arg4: memref<8192xi32, #tpu.memory_space<hbm>>, %arg5: memref<4609x768xbf16, #tpu.memory_space<hbm>>, %arg6: memref<512x768xbf16, #tpu.memory_space<hbm>>, %arg7: memref<512x768xbf16, #tpu.memory_space<hbm>>, %arg8: memref<1x768xbf16, #tpu.memory_space<hbm>>, %arg9: memref<64x129x768xbf16, #tpu.memory_space<hbm>>, %arg10: memref<4608xi32, #tpu.memory_space<vmem>>, %arg11: memref<512xi32, #tpu.memory_space<vmem>>, %arg12: memref<512xi32, #tpu.memory_space<vmem>>, %arg13: memref<2x72x384xbf16, #tpu.memory_space<vmem>>, %arg14: memref<2x8x384xbf16, #tpu.memory_space<vmem>>, %arg15: memref<2x8x384xbf16, #tpu.memory_space<vmem>>, %arg16: memref<2x8x384xbf16, #tpu.memory_space<vmem>>, %arg17: memref<1x384xbf16, #tpu.memory_space<vmem>>, %arg18: memref<4609x384xbf16, #tpu.memory_space<vmem_shared>>, %arg19: memref<512x384xbf16, #tpu.memory_space<vmem_shared>>, %arg20: memref<512x384xbf16, #tpu.memory_space<vmem_shared>>, %arg21: memref<!tpu.dma_semaphore, #tpu.memory_space<semaphore_mem>>, %arg22: memref<!tpu.dma_semaphore, #tpu.memory_space<semaphore_mem>>, %arg23: memref<!tpu.dma_semaphore, #tpu.memory_space<semaphore_mem>>, %arg24: memref<!tpu.dma_semaphore, #tpu.memory_space<semaphore_mem>>, %arg25: memref<!tpu.dma_semaphore, #tpu.memory_space<semaphore_mem>>) attributes {dimension_semantics = [#tpu.dimension_semantics<core_parallel>, #tpu.dimension_semantics<subcore_parallel>], iteration_bounds = array<i64: 2, 16>, scalar_prefetch = 0 : i64, scratch_operands = 16 : i64, tpu.core_type = #tpu.core_type<sc_vector_subcore>, window_params = [{transform_indices = #map}, {transform_indices = #map}, {transform_indices = #map}, {transform_indices = #map1}, {transform_indices = #map1}, {transform_indices = #map1}, {transform_indices = #map1}, {transform_indices = #map2}]} {
    %mul3A = arith.constant 384 : i32
    %mul3A_0 = arith.muli %arg0, %mul3A : i32
    %mul3A_1 = arith.constant 288 : i32
    %mul3A_2 = arith.muli %arg1, %mul3A_1 : i32
    %mul3A_3 = arith.constant 32 : i32
    %mul3A_4 = arith.muli %arg1, %mul3A_3 : i32
    %dma_start3A = arith.constant 0 : i32
    %dma_start3A_5 = tpu.memref_slice %arg18[%mul3A_2, %dma_start3A] : memref<4609x384xbf16, #tpu.memory_space<vmem_shared>> -> memref<288x384xbf16, #tpu.memory_space<vmem_shared>>
    %dma_start3A_6 = tpu.memref_slice %arg5[%mul3A_2, %mul3A_0] : memref<4609x768xbf16, #tpu.memory_space<hbm>> -> memref<288x384xbf16, #tpu.memory_space<hbm>>
    tpu.enqueue_dma source(%dma_start3A_6 : memref<288x384xbf16, #tpu.memory_space<hbm>>) target(%dma_start3A_5 : memref<288x384xbf16, #tpu.memory_space<vmem_shared>>) target_semaphore(%arg21 : memref<!tpu.dma_semaphore, #tpu.memory_space<semaphore_mem>>)
    %dma_start3A_7 = arith.constant 0 : i32
    %dma_start3A_8 = tpu.memref_slice %arg19[%mul3A_4, %dma_start3A_7] : memref<512x384xbf16, #tpu.memory_space<vmem_shared>> -> memref<32x384xbf16, #tpu.memory_space<vmem_shared>>
    %dma_start3A_9 = tpu.memref_slice %arg6[%mul3A_4, %mul3A_0] : memref<512x768xbf16, #tpu.memory_space<hbm>> -> memref<32x384xbf16, #tpu.memory_space<hbm>>
    tpu.enqueue_dma source(%dma_start3A_9 : memref<32x384xbf16, #tpu.memory_space<hbm>>) target(%dma_start3A_8 : memref<32x384xbf16, #tpu.memory_space<vmem_shared>>) target_semaphore(%arg21 : memref<!tpu.dma_semaphore, #tpu.memory_space<semaphore_mem>>)
    %dma_start3A_10 = arith.constant 0 : i32
    %dma_start3A_11 = tpu.memref_slice %arg20[%mul3A_4, %dma_start3A_10] : memref<512x384xbf16, #tpu.memory_space<vmem_shared>> -> memref<32x384xbf16, #tpu.memory_space<vmem_shared>>
    %dma_start3A_12 = tpu.memref_slice %arg7[%mul3A_4, %mul3A_0] : memref<512x768xbf16, #tpu.memory_space<hbm>> -> memref<32x384xbf16, #tpu.memory_space<hbm>>
    tpu.enqueue_dma source(%dma_start3A_12 : memref<32x384xbf16, #tpu.memory_space<hbm>>) target(%dma_start3A_11 : memref<32x384xbf16, #tpu.memory_space<vmem_shared>>) target_semaphore(%arg21 : memref<!tpu.dma_semaphore, #tpu.memory_space<semaphore_mem>>)
    %eq3A = arith.constant 0 : i32
    %eq3A_13 = arith.cmpi eq, %arg1, %eq3A : i32
    %convert_element_type3A = arith.extui %eq3A_13 : i1 to i32
    %cond3A = arith.constant 0 : i32
    %cond3A_14 = arith.cmpi ne, %convert_element_type3A, %cond3A : i32
    scf.if %cond3A_14 {
      %dma_start3A_216 = arith.constant 4608 : i32
      %dma_start3A_217 = arith.constant 0 : i32
      %dma_start3A_218 = tpu.memref_slice %arg18[%dma_start3A_216, %dma_start3A_217] : memref<4609x384xbf16, #tpu.memory_space<vmem_shared>> -> memref<1x384xbf16, #tpu.memory_space<vmem_shared>>
      %dma_start3A_219 = arith.constant 4608 : i32
      %dma_start3A_220 = tpu.memref_slice %arg5[%dma_start3A_219, %mul3A_0] : memref<4609x768xbf16, #tpu.memory_space<hbm>> -> memref<1x384xbf16, #tpu.memory_space<hbm>>
      tpu.enqueue_dma source(%dma_start3A_220 : memref<1x384xbf16, #tpu.memory_space<hbm>>) target(%dma_start3A_218 : memref<1x384xbf16, #tpu.memory_space<vmem_shared>>) target_semaphore(%arg21 : memref<!tpu.dma_semaphore, #tpu.memory_space<semaphore_mem>>)
    } else {
    }
    %mul3A_15 = arith.constant 4608 : i32
    %mul3A_16 = arith.muli %arg1, %mul3A_15 : i32
    %dma_start3A_17 = tpu.memref_slice %arg2[%mul3A_16] : memref<73728xi32, #tpu.memory_space<hbm>> -> memref<4608xi32, #tpu.memory_space<hbm>>
    %dma_start3A_18 = tpu.memref_slice %arg2[%mul3A_16] : memref<73728xi32, #tpu.memory_space<hbm>> -> memref<4608xi32, #tpu.memory_space<hbm>>
    tpu.enqueue_dma source(%dma_start3A_18 : memref<4608xi32, #tpu.memory_space<hbm>>) target(%arg10 : memref<4608xi32, #tpu.memory_space<vmem>>) target_semaphore(%arg21 : memref<!tpu.dma_semaphore, #tpu.memory_space<semaphore_mem>>)
    %mul3A_19 = arith.constant 512 : i32
    %mul3A_20 = arith.muli %arg1, %mul3A_19 : i32
    %dma_start3A_21 = tpu.memref_slice %arg3[%mul3A_20] : memref<8192xi32, #tpu.memory_space<hbm>> -> memref<512xi32, #tpu.memory_space<hbm>>
    %dma_start3A_22 = tpu.memref_slice %arg3[%mul3A_20] : memref<8192xi32, #tpu.memory_space<hbm>> -> memref<512xi32, #tpu.memory_space<hbm>>
    tpu.enqueue_dma source(%dma_start3A_22 : memref<512xi32, #tpu.memory_space<hbm>>) target(%arg11 : memref<512xi32, #tpu.memory_space<vmem>>) target_semaphore(%arg21 : memref<!tpu.dma_semaphore, #tpu.memory_space<semaphore_mem>>)
    %mul3A_23 = arith.constant 512 : i32
    %mul3A_24 = arith.muli %arg1, %mul3A_23 : i32
    %dma_start3A_25 = tpu.memref_slice %arg4[%mul3A_24] : memref<8192xi32, #tpu.memory_space<hbm>> -> memref<512xi32, #tpu.memory_space<hbm>>
    %dma_start3A_26 = tpu.memref_slice %arg4[%mul3A_24] : memref<8192xi32, #tpu.memory_space<hbm>> -> memref<512xi32, #tpu.memory_space<hbm>>
    tpu.enqueue_dma source(%dma_start3A_26 : memref<512xi32, #tpu.memory_space<hbm>>) target(%arg12 : memref<512xi32, #tpu.memory_space<vmem>>) target_semaphore(%arg21 : memref<!tpu.dma_semaphore, #tpu.memory_space<semaphore_mem>>)
    %dma_start3A_27 = arith.constant 0 : i32
    %dma_start3A_28 = tpu.memref_slice %arg8[%dma_start3A_27, %mul3A_0] : memref<1x768xbf16, #tpu.memory_space<hbm>> -> memref<1x384xbf16, #tpu.memory_space<hbm>>
    %dma_start3A_29 = arith.constant 0 : i32
    %dma_start3A_30 = tpu.memref_slice %arg8[%dma_start3A_29, %mul3A_0] : memref<1x768xbf16, #tpu.memory_space<hbm>> -> memref<1x384xbf16, #tpu.memory_space<hbm>>
    tpu.enqueue_dma source(%dma_start3A_30 : memref<1x384xbf16, #tpu.memory_space<hbm>>) target(%arg17 : memref<1x384xbf16, #tpu.memory_space<vmem>>) target_semaphore(%arg21 : memref<!tpu.dma_semaphore, #tpu.memory_space<semaphore_mem>>)
    %dma_wait3A = arith.constant 0 : i32
    %dma_wait3A_31 = arith.constant 0 : i32
    %dma_wait3A_32 = tpu.memref_slice %arg18[%dma_wait3A, %dma_wait3A_31] : memref<4609x384xbf16, #tpu.memory_space<vmem_shared>> -> memref<288x384xbf16, #tpu.memory_space<vmem_shared>>
    %dma_wait3A_33 = arith.constant 0 : i32
    %dma_wait3A_34 = arith.constant 0 : i32
    %dma_wait3A_35 = tpu.memref_slice %arg5[%dma_wait3A_33, %dma_wait3A_34] : memref<4609x768xbf16, #tpu.memory_space<hbm>> -> memref<288x384xbf16, #tpu.memory_space<hbm>>
    tpu.wait_dma2 semaphore(%arg21 : memref<!tpu.dma_semaphore, #tpu.memory_space<semaphore_mem>>) src(%dma_wait3A_35 : memref<288x384xbf16, #tpu.memory_space<hbm>>) dst(%dma_wait3A_32 : memref<288x384xbf16, #tpu.memory_space<vmem_shared>>)
    %dma_wait3A_36 = arith.constant 0 : i32
    %dma_wait3A_37 = arith.constant 0 : i32
    %dma_wait3A_38 = tpu.memref_slice %arg19[%dma_wait3A_36, %dma_wait3A_37] : memref<512x384xbf16, #tpu.memory_space<vmem_shared>> -> memref<32x384xbf16, #tpu.memory_space<vmem_shared>>
    %dma_wait3A_39 = arith.constant 0 : i32
    %dma_wait3A_40 = arith.constant 0 : i32
    %dma_wait3A_41 = tpu.memref_slice %arg6[%dma_wait3A_39, %dma_wait3A_40] : memref<512x768xbf16, #tpu.memory_space<hbm>> -> memref<32x384xbf16, #tpu.memory_space<hbm>>
    tpu.wait_dma2 semaphore(%arg21 : memref<!tpu.dma_semaphore, #tpu.memory_space<semaphore_mem>>) src(%dma_wait3A_41 : memref<32x384xbf16, #tpu.memory_space<hbm>>) dst(%dma_wait3A_38 : memref<32x384xbf16, #tpu.memory_space<vmem_shared>>)
    %dma_wait3A_42 = arith.constant 0 : i32
    %dma_wait3A_43 = arith.constant 0 : i32
    %dma_wait3A_44 = tpu.memref_slice %arg20[%dma_wait3A_42, %dma_wait3A_43] : memref<512x384xbf16, #tpu.memory_space<vmem_shared>> -> memref<32x384xbf16, #tpu.memory_space<vmem_shared>>
    %dma_wait3A_45 = arith.constant 0 : i32
    %dma_wait3A_46 = arith.constant 0 : i32
    %dma_wait3A_47 = tpu.memref_slice %arg7[%dma_wait3A_45, %dma_wait3A_46] : memref<512x768xbf16, #tpu.memory_space<hbm>> -> memref<32x384xbf16, #tpu.memory_space<hbm>>
    tpu.wait_dma2 semaphore(%arg21 : memref<!tpu.dma_semaphore, #tpu.memory_space<semaphore_mem>>) src(%dma_wait3A_47 : memref<32x384xbf16, #tpu.memory_space<hbm>>) dst(%dma_wait3A_44 : memref<32x384xbf16, #tpu.memory_space<vmem_shared>>)
    %dma_wait3A_48 = arith.constant 0 : i32
    %dma_wait3A_49 = tpu.memref_slice %arg2[%dma_wait3A_48] : memref<73728xi32, #tpu.memory_space<hbm>> -> memref<4608xi32, #tpu.memory_space<hbm>>
    %dma_wait3A_50 = arith.constant 0 : i32
    %dma_wait3A_51 = tpu.memref_slice %arg2[%dma_wait3A_50] : memref<73728xi32, #tpu.memory_space<hbm>> -> memref<4608xi32, #tpu.memory_space<hbm>>
    tpu.wait_dma2 semaphore(%arg21 : memref<!tpu.dma_semaphore, #tpu.memory_space<semaphore_mem>>) src(%dma_wait3A_51 : memref<4608xi32, #tpu.memory_space<hbm>>) dst(%arg10 : memref<4608xi32, #tpu.memory_space<vmem>>)
    %dma_wait3A_52 = arith.constant 0 : i32
    %dma_wait3A_53 = tpu.memref_slice %arg3[%dma_wait3A_52] : memref<8192xi32, #tpu.memory_space<hbm>> -> memref<512xi32, #tpu.memory_space<hbm>>
    %dma_wait3A_54 = arith.constant 0 : i32
    %dma_wait3A_55 = tpu.memref_slice %arg3[%dma_wait3A_54] : memref<8192xi32, #tpu.memory_space<hbm>> -> memref<512xi32, #tpu.memory_space<hbm>>
    tpu.wait_dma2 semaphore(%arg21 : memref<!tpu.dma_semaphore, #tpu.memory_space<semaphore_mem>>) src(%dma_wait3A_55 : memref<512xi32, #tpu.memory_space<hbm>>) dst(%arg11 : memref<512xi32, #tpu.memory_space<vmem>>)
    %dma_wait3A_56 = arith.constant 0 : i32
    %dma_wait3A_57 = tpu.memref_slice %arg4[%dma_wait3A_56] : memref<8192xi32, #tpu.memory_space<hbm>> -> memref<512xi32, #tpu.memory_space<hbm>>
    %dma_wait3A_58 = arith.constant 0 : i32
    %dma_wait3A_59 = tpu.memref_slice %arg4[%dma_wait3A_58] : memref<8192xi32, #tpu.memory_space<hbm>> -> memref<512xi32, #tpu.memory_space<hbm>>
    tpu.wait_dma2 semaphore(%arg21 : memref<!tpu.dma_semaphore, #tpu.memory_space<semaphore_mem>>) src(%dma_wait3A_59 : memref<512xi32, #tpu.memory_space<hbm>>) dst(%arg12 : memref<512xi32, #tpu.memory_space<vmem>>)
    %dma_wait3A_60 = arith.constant 0 : i32
    %dma_wait3A_61 = arith.constant 0 : i32
    %dma_wait3A_62 = tpu.memref_slice %arg8[%dma_wait3A_60, %dma_wait3A_61] : memref<1x768xbf16, #tpu.memory_space<hbm>> -> memref<1x384xbf16, #tpu.memory_space<hbm>>
    %dma_wait3A_63 = arith.constant 0 : i32
    %dma_wait3A_64 = arith.constant 0 : i32
    %dma_wait3A_65 = tpu.memref_slice %arg8[%dma_wait3A_63, %dma_wait3A_64] : memref<1x768xbf16, #tpu.memory_space<hbm>> -> memref<1x384xbf16, #tpu.memory_space<hbm>>
    tpu.wait_dma2 semaphore(%arg21 : memref<!tpu.dma_semaphore, #tpu.memory_space<semaphore_mem>>) src(%dma_wait3A_65 : memref<1x384xbf16, #tpu.memory_space<hbm>>) dst(%arg17 : memref<1x384xbf16, #tpu.memory_space<vmem>>)
    %eq3A_66 = arith.constant 0 : i32
    %eq3A_67 = arith.cmpi eq, %arg1, %eq3A_66 : i32
    %convert_element_type3A_68 = arith.extui %eq3A_67 : i1 to i32
    %cond3A_69 = arith.constant 0 : i32
    %cond3A_70 = arith.cmpi ne, %convert_element_type3A_68, %cond3A_69 : i32
    scf.if %cond3A_70 {
      %dma_wait3A_216 = arith.constant 0 : i32
      %dma_wait3A_217 = arith.constant 0 : i32
      %dma_wait3A_218 = tpu.memref_slice %arg18[%dma_wait3A_216, %dma_wait3A_217] : memref<4609x384xbf16, #tpu.memory_space<vmem_shared>> -> memref<1x384xbf16, #tpu.memory_space<vmem_shared>>
      %dma_wait3A_219 = arith.constant 0 : i32
      %dma_wait3A_220 = arith.constant 0 : i32
      %dma_wait3A_221 = tpu.memref_slice %arg5[%dma_wait3A_219, %dma_wait3A_220] : memref<4609x768xbf16, #tpu.memory_space<hbm>> -> memref<1x384xbf16, #tpu.memory_space<hbm>>
      tpu.wait_dma2 semaphore(%arg21 : memref<!tpu.dma_semaphore, #tpu.memory_space<semaphore_mem>>) src(%dma_wait3A_221 : memref<1x384xbf16, #tpu.memory_space<hbm>>) dst(%dma_wait3A_218 : memref<1x384xbf16, #tpu.memory_space<vmem_shared>>)
    } else {
    }
    %barrier3A = arith.constant 0 : index
    tpu.barrier barrier_id(%barrier3A)
    %mul3A_71 = arith.constant 4 : i32
    %mul3A_72 = arith.muli %arg1, %mul3A_71 : i32
    %add3A = arith.constant 0 : i32
    %add3A_73 = arith.addi %mul3A_72, %add3A : i32
    %dma_start3A_74 = arith.constant 0 : i32
    %dma_start3A_75 = tpu.memref_slice %arg9[%add3A_73, %dma_start3A_74, %mul3A_0] : memref<64x129x768xbf16, #tpu.memory_space<hbm>> -> memref<1x1x384xbf16, #tpu.memory_space<hbm>>
    %dma_start3A_76 = tpu.memref_squeeze %dma_start3A_75 : memref<1x1x384xbf16, #tpu.memory_space<hbm>> -> memref<1x384xbf16, #tpu.memory_space<hbm>>
    %dma_start3A_77 = arith.constant 0 : i32
    %dma_start3A_78 = tpu.memref_slice %arg9[%add3A_73, %dma_start3A_77, %mul3A_0] : memref<64x129x768xbf16, #tpu.memory_space<hbm>> -> memref<1x1x384xbf16, #tpu.memory_space<hbm>>
    %dma_start3A_79 = tpu.memref_squeeze %dma_start3A_78 : memref<1x1x384xbf16, #tpu.memory_space<hbm>> -> memref<1x384xbf16, #tpu.memory_space<hbm>>
    tpu.enqueue_dma source(%arg17 : memref<1x384xbf16, #tpu.memory_space<vmem>>) target(%dma_start3A_79 : memref<1x384xbf16, #tpu.memory_space<hbm>>) target_semaphore(%arg21 : memref<!tpu.dma_semaphore, #tpu.memory_space<semaphore_mem>>)
    %mul3A_80 = arith.constant 4 : i32
    %mul3A_81 = arith.muli %arg1, %mul3A_80 : i32
    %add3A_82 = arith.constant 1 : i32
    %add3A_83 = arith.addi %mul3A_81, %add3A_82 : i32
    %dma_start3A_84 = arith.constant 0 : i32
    %dma_start3A_85 = tpu.memref_slice %arg9[%add3A_83, %dma_start3A_84, %mul3A_0] : memref<64x129x768xbf16, #tpu.memory_space<hbm>> -> memref<1x1x384xbf16, #tpu.memory_space<hbm>>
    %dma_start3A_86 = tpu.memref_squeeze %dma_start3A_85 : memref<1x1x384xbf16, #tpu.memory_space<hbm>> -> memref<1x384xbf16, #tpu.memory_space<hbm>>
    %dma_start3A_87 = arith.constant 0 : i32
    %dma_start3A_88 = tpu.memref_slice %arg9[%add3A_83, %dma_start3A_87, %mul3A_0] : memref<64x129x768xbf16, #tpu.memory_space<hbm>> -> memref<1x1x384xbf16, #tpu.memory_space<hbm>>
    %dma_start3A_89 = tpu.memref_squeeze %dma_start3A_88 : memref<1x1x384xbf16, #tpu.memory_space<hbm>> -> memref<1x384xbf16, #tpu.memory_space<hbm>>
    tpu.enqueue_dma source(%arg17 : memref<1x384xbf16, #tpu.memory_space<vmem>>) target(%dma_start3A_89 : memref<1x384xbf16, #tpu.memory_space<hbm>>) target_semaphore(%arg21 : memref<!tpu.dma_semaphore, #tpu.memory_space<semaphore_mem>>)
    %mul3A_90 = arith.constant 4 : i32
    %mul3A_91 = arith.muli %arg1, %mul3A_90 : i32
    %add3A_92 = arith.constant 2 : i32
    %add3A_93 = arith.addi %mul3A_91, %add3A_92 : i32
    %dma_start3A_94 = arith.constant 0 : i32
    %dma_start3A_95 = tpu.memref_slice %arg9[%add3A_93, %dma_start3A_94, %mul3A_0] : memref<64x129x768xbf16, #tpu.memory_space<hbm>> -> memref<1x1x384xbf16, #tpu.memory_space<hbm>>
    %dma_start3A_96 = tpu.memref_squeeze %dma_start3A_95 : memref<1x1x384xbf16, #tpu.memory_space<hbm>> -> memref<1x384xbf16, #tpu.memory_space<hbm>>
    %dma_start3A_97 = arith.constant 0 : i32
    %dma_start3A_98 = tpu.memref_slice %arg9[%add3A_93, %dma_start3A_97, %mul3A_0] : memref<64x129x768xbf16, #tpu.memory_space<hbm>> -> memref<1x1x384xbf16, #tpu.memory_space<hbm>>
    %dma_start3A_99 = tpu.memref_squeeze %dma_start3A_98 : memref<1x1x384xbf16, #tpu.memory_space<hbm>> -> memref<1x384xbf16, #tpu.memory_space<hbm>>
    tpu.enqueue_dma source(%arg17 : memref<1x384xbf16, #tpu.memory_space<vmem>>) target(%dma_start3A_99 : memref<1x384xbf16, #tpu.memory_space<hbm>>) target_semaphore(%arg21 : memref<!tpu.dma_semaphore, #tpu.memory_space<semaphore_mem>>)
    %mul3A_100 = arith.constant 4 : i32
    %mul3A_101 = arith.muli %arg1, %mul3A_100 : i32
    %add3A_102 = arith.constant 3 : i32
    %add3A_103 = arith.addi %mul3A_101, %add3A_102 : i32
    %dma_start3A_104 = arith.constant 0 : i32
    %dma_start3A_105 = tpu.memref_slice %arg9[%add3A_103, %dma_start3A_104, %mul3A_0] : memref<64x129x768xbf16, #tpu.memory_space<hbm>> -> memref<1x1x384xbf16, #tpu.memory_space<hbm>>
    %dma_start3A_106 = tpu.memref_squeeze %dma_start3A_105 : memref<1x1x384xbf16, #tpu.memory_space<hbm>> -> memref<1x384xbf16, #tpu.memory_space<hbm>>
    %dma_start3A_107 = arith.constant 0 : i32
    %dma_start3A_108 = tpu.memref_slice %arg9[%add3A_103, %dma_start3A_107, %mul3A_0] : memref<64x129x768xbf16, #tpu.memory_space<hbm>> -> memref<1x1x384xbf16, #tpu.memory_space<hbm>>
    %dma_start3A_109 = tpu.memref_squeeze %dma_start3A_108 : memref<1x1x384xbf16, #tpu.memory_space<hbm>> -> memref<1x384xbf16, #tpu.memory_space<hbm>>
    tpu.enqueue_dma source(%arg17 : memref<1x384xbf16, #tpu.memory_space<vmem>>) target(%dma_start3A_109 : memref<1x384xbf16, #tpu.memory_space<hbm>>) target_semaphore(%arg21 : memref<!tpu.dma_semaphore, #tpu.memory_space<semaphore_mem>>)
    %dma_start3A_110 = arith.constant 0 : i32
    %dma_start3A_111 = arith.constant 0 : i32
    %dma_start3A_112 = arith.constant 0 : i32
    %dma_start3A_113 = tpu.memref_slice %arg13[%dma_start3A_110, %dma_start3A_111, %dma_start3A_112] : memref<2x72x384xbf16, #tpu.memory_space<vmem>> -> memref<1x72x384xbf16, #tpu.memory_space<vmem>>
    %dma_start3A_114 = tpu.memref_squeeze %dma_start3A_113 : memref<1x72x384xbf16, #tpu.memory_space<vmem>> -> memref<72x384xbf16, #tpu.memory_space<vmem>>
    %dma_start3A_115 = arith.constant 0 : i32
    %dma_start3A_116 = tpu.memref_slice %arg10[%dma_start3A_115] : memref<4608xi32, #tpu.memory_space<vmem>> -> memref<72xi32, #tpu.memory_space<vmem>>
    %dma_start3A_117 = arith.constant 0 : i32
    %dma_start3A_118 = arith.constant 0 : i32
    %dma_start3A_119 = tpu.memref_slice %arg18[%dma_start3A_117, %dma_start3A_118] : memref<4609x384xbf16, #tpu.memory_space<vmem_shared>> -> memref<4609x384xbf16, #tpu.memory_space<vmem_shared>>
    tpu.enqueue_indirect_dma source(%dma_start3A_119 : memref<4609x384xbf16, #tpu.memory_space<vmem_shared>>) target(%dma_start3A_114 : memref<72x384xbf16, #tpu.memory_space<vmem>>) offsets(%dma_start3A_116 : memref<72xi32, #tpu.memory_space<vmem>>) semaphore(%arg22 : memref<!tpu.dma_semaphore, #tpu.memory_space<semaphore_mem>>)
    %dma_start3A_120 = arith.constant 0 : i32
    %dma_start3A_121 = arith.constant 0 : i32
    %dma_start3A_122 = arith.constant 0 : i32
    %dma_start3A_123 = tpu.memref_slice %arg14[%dma_start3A_120, %dma_start3A_121, %dma_start3A_122] : memref<2x8x384xbf16, #tpu.memory_space<vmem>> -> memref<1x8x384xbf16, #tpu.memory_space<vmem>>
    %dma_start3A_124 = tpu.memref_squeeze %dma_start3A_123 : memref<1x8x384xbf16, #tpu.memory_space<vmem>> -> memref<8x384xbf16, #tpu.memory_space<vmem>>
    %dma_start3A_125 = arith.constant 0 : i32
    %dma_start3A_126 = tpu.memref_slice %arg11[%dma_start3A_125] : memref<512xi32, #tpu.memory_space<vmem>> -> memref<8xi32, #tpu.memory_space<vmem>>
    %dma_start3A_127 = arith.constant 0 : i32
    %dma_start3A_128 = arith.constant 0 : i32
    %dma_start3A_129 = tpu.memref_slice %arg19[%dma_start3A_127, %dma_start3A_128] : memref<512x384xbf16, #tpu.memory_space<vmem_shared>> -> memref<512x384xbf16, #tpu.memory_space<vmem_shared>>
    tpu.enqueue_indirect_dma source(%dma_start3A_129 : memref<512x384xbf16, #tpu.memory_space<vmem_shared>>) target(%dma_start3A_124 : memref<8x384xbf16, #tpu.memory_space<vmem>>) offsets(%dma_start3A_126 : memref<8xi32, #tpu.memory_space<vmem>>) semaphore(%arg22 : memref<!tpu.dma_semaphore, #tpu.memory_space<semaphore_mem>>)
    %dma_start3A_130 = arith.constant 0 : i32
    %dma_start3A_131 = arith.constant 0 : i32
    %dma_start3A_132 = arith.constant 0 : i32
    %dma_start3A_133 = tpu.memref_slice %arg15[%dma_start3A_130, %dma_start3A_131, %dma_start3A_132] : memref<2x8x384xbf16, #tpu.memory_space<vmem>> -> memref<1x8x384xbf16, #tpu.memory_space<vmem>>
    %dma_start3A_134 = tpu.memref_squeeze %dma_start3A_133 : memref<1x8x384xbf16, #tpu.memory_space<vmem>> -> memref<8x384xbf16, #tpu.memory_space<vmem>>
    %dma_start3A_135 = arith.constant 0 : i32
    %dma_start3A_136 = tpu.memref_slice %arg12[%dma_start3A_135] : memref<512xi32, #tpu.memory_space<vmem>> -> memref<8xi32, #tpu.memory_space<vmem>>
    %dma_start3A_137 = arith.constant 0 : i32
    %dma_start3A_138 = arith.constant 0 : i32
    %dma_start3A_139 = tpu.memref_slice %arg20[%dma_start3A_137, %dma_start3A_138] : memref<512x384xbf16, #tpu.memory_space<vmem_shared>> -> memref<512x384xbf16, #tpu.memory_space<vmem_shared>>
    tpu.enqueue_indirect_dma source(%dma_start3A_139 : memref<512x384xbf16, #tpu.memory_space<vmem_shared>>) target(%dma_start3A_134 : memref<8x384xbf16, #tpu.memory_space<vmem>>) offsets(%dma_start3A_136 : memref<8xi32, #tpu.memory_space<vmem>>) semaphore(%arg22 : memref<!tpu.dma_semaphore, #tpu.memory_space<semaphore_mem>>)
    %scan3A = arith.constant 0 : i32
    %scan3A_140 = arith.constant 32 : i32
    %scan3A_141 = arith.addi %scan3A, %scan3A_140 : i32
    %scan3A_142 = arith.constant 1 : i32
    scf.for %scan3A_216 = %scan3A to %scan3A_141 step %scan3A_142  : i32 {
      %mul3A_217 = arith.constant 2 : i32
      %mul3A_218 = arith.muli %scan3A_216, %mul3A_217 : i32
      %add3A_219 = arith.constant 0 : i32
      %add3A_220 = arith.addi %add3A_219, %mul3A_218 : i32
      %add3A_221 = arith.constant 0 : i32
      %add3A_222 = arith.addi %add3A_220, %add3A_221 : i32
      %dma_wait3A_223 = arith.constant 0 : i32
      %dma_wait3A_224 = arith.constant 0 : i32
      %dma_wait3A_225 = arith.constant 0 : i32
      %dma_wait3A_226 = tpu.memref_slice %arg13[%dma_wait3A_223, %dma_wait3A_224, %dma_wait3A_225] : memref<2x72x384xbf16, #tpu.memory_space<vmem>> -> memref<1x72x384xbf16, #tpu.memory_space<vmem>>
      %dma_wait3A_227 = tpu.memref_squeeze %dma_wait3A_226 : memref<1x72x384xbf16, #tpu.memory_space<vmem>> -> memref<72x384xbf16, #tpu.memory_space<vmem>>
      %dma_wait3A_228 = arith.constant 0 : i32
      %dma_wait3A_229 = tpu.memref_slice %arg10[%dma_wait3A_228] : memref<4608xi32, #tpu.memory_space<vmem>> -> memref<72xi32, #tpu.memory_space<vmem>>
      %dma_wait3A_230 = arith.constant 0 : i32
      %dma_wait3A_231 = arith.constant 0 : i32
      %dma_wait3A_232 = tpu.memref_slice %arg18[%dma_wait3A_230, %dma_wait3A_231] : memref<4609x384xbf16, #tpu.memory_space<vmem_shared>> -> memref<4609x384xbf16, #tpu.memory_space<vmem_shared>>
      tpu.wait_indirect_dma semaphore(%arg22 : memref<!tpu.dma_semaphore, #tpu.memory_space<semaphore_mem>>) src(%dma_wait3A_232 : memref<4609x384xbf16, #tpu.memory_space<vmem_shared>>) dst(%dma_wait3A_227 : memref<72x384xbf16, #tpu.memory_space<vmem>>)
      %dma_wait3A_233 = arith.constant 0 : i32
      %dma_wait3A_234 = arith.constant 0 : i32
      %dma_wait3A_235 = arith.constant 0 : i32
      %dma_wait3A_236 = tpu.memref_slice %arg14[%dma_wait3A_233, %dma_wait3A_234, %dma_wait3A_235] : memref<2x8x384xbf16, #tpu.memory_space<vmem>> -> memref<1x8x384xbf16, #tpu.memory_space<vmem>>
      %dma_wait3A_237 = tpu.memref_squeeze %dma_wait3A_236 : memref<1x8x384xbf16, #tpu.memory_space<vmem>> -> memref<8x384xbf16, #tpu.memory_space<vmem>>
      %dma_wait3A_238 = arith.constant 0 : i32
      %dma_wait3A_239 = tpu.memref_slice %arg11[%dma_wait3A_238] : memref<512xi32, #tpu.memory_space<vmem>> -> memref<8xi32, #tpu.memory_space<vmem>>
      %dma_wait3A_240 = arith.constant 0 : i32
      %dma_wait3A_241 = arith.constant 0 : i32
      %dma_wait3A_242 = tpu.memref_slice %arg19[%dma_wait3A_240, %dma_wait3A_241] : memref<512x384xbf16, #tpu.memory_space<vmem_shared>> -> memref<512x384xbf16, #tpu.memory_space<vmem_shared>>
      tpu.wait_indirect_dma semaphore(%arg22 : memref<!tpu.dma_semaphore, #tpu.memory_space<semaphore_mem>>) src(%dma_wait3A_242 : memref<512x384xbf16, #tpu.memory_space<vmem_shared>>) dst(%dma_wait3A_237 : memref<8x384xbf16, #tpu.memory_space<vmem>>)
      %dma_wait3A_243 = arith.constant 0 : i32
      %dma_wait3A_244 = arith.constant 0 : i32
      %dma_wait3A_245 = arith.constant 0 : i32
      %dma_wait3A_246 = tpu.memref_slice %arg15[%dma_wait3A_243, %dma_wait3A_244, %dma_wait3A_245] : memref<2x8x384xbf16, #tpu.memory_space<vmem>> -> memref<1x8x384xbf16, #tpu.memory_space<vmem>>
      %dma_wait3A_247 = tpu.memref_squeeze %dma_wait3A_246 : memref<1x8x384xbf16, #tpu.memory_space<vmem>> -> memref<8x384xbf16, #tpu.memory_space<vmem>>
      %dma_wait3A_248 = arith.constant 0 : i32
      %dma_wait3A_249 = tpu.memref_slice %arg12[%dma_wait3A_248] : memref<512xi32, #tpu.memory_space<vmem>> -> memref<8xi32, #tpu.memory_space<vmem>>
      %dma_wait3A_250 = arith.constant 0 : i32
      %dma_wait3A_251 = arith.constant 0 : i32
      %dma_wait3A_252 = tpu.memref_slice %arg20[%dma_wait3A_250, %dma_wait3A_251] : memref<512x384xbf16, #tpu.memory_space<vmem_shared>> -> memref<512x384xbf16, #tpu.memory_space<vmem_shared>>
      tpu.wait_indirect_dma semaphore(%arg22 : memref<!tpu.dma_semaphore, #tpu.memory_space<semaphore_mem>>) src(%dma_wait3A_252 : memref<512x384xbf16, #tpu.memory_space<vmem_shared>>) dst(%dma_wait3A_247 : memref<8x384xbf16, #tpu.memory_space<vmem>>)
      %add3A_253 = arith.constant 2 : i32
      %add3A_254 = arith.addi %add3A_222, %add3A_253 : i32
      %sub3A = arith.constant 1 : i32
      %sub3A_255 = arith.subi %add3A_254, %sub3A : i32
      %lt3A = arith.constant 64 : i32
      %lt3A_256 = arith.cmpi slt, %sub3A_255, %lt3A : i32
      %convert_element_type3A_257 = arith.extui %lt3A_256 : i1 to i32
      %cond3A_258 = arith.constant 0 : i32
      %cond3A_259 = arith.cmpi ne, %convert_element_type3A_257, %cond3A_258 : i32
      scf.if %cond3A_259 {
        %add3A_366 = arith.constant 2 : i32
        %add3A_367 = arith.addi %add3A_222, %add3A_366 : i32
        %sub3A_368 = arith.constant 1 : i32
        %sub3A_369 = arith.subi %add3A_367, %sub3A_368 : i32
        %mul3A_370 = arith.constant 72 : i32
        %mul3A_371 = arith.muli %sub3A_369, %mul3A_370 : i32
        %dma_start3A_372 = arith.constant 1 : i32
        %dma_start3A_373 = arith.constant 0 : i32
        %dma_start3A_374 = arith.constant 0 : i32
        %dma_start3A_375 = tpu.memref_slice %arg13[%dma_start3A_372, %dma_start3A_373, %dma_start3A_374] : memref<2x72x384xbf16, #tpu.memory_space<vmem>> -> memref<1x72x384xbf16, #tpu.memory_space<vmem>>
        %dma_start3A_376 = tpu.memref_squeeze %dma_start3A_375 : memref<1x72x384xbf16, #tpu.memory_space<vmem>> -> memref<72x384xbf16, #tpu.memory_space<vmem>>
        %dma_start3A_377 = tpu.memref_slice %arg10[%mul3A_371] : memref<4608xi32, #tpu.memory_space<vmem>> -> memref<72xi32, #tpu.memory_space<vmem>>
        %dma_start3A_378 = arith.constant 0 : i32
        %dma_start3A_379 = arith.constant 0 : i32
        %dma_start3A_380 = tpu.memref_slice %arg18[%dma_start3A_378, %dma_start3A_379] : memref<4609x384xbf16, #tpu.memory_space<vmem_shared>> -> memref<4609x384xbf16, #tpu.memory_space<vmem_shared>>
        tpu.enqueue_indirect_dma source(%dma_start3A_380 : memref<4609x384xbf16, #tpu.memory_space<vmem_shared>>) target(%dma_start3A_376 : memref<72x384xbf16, #tpu.memory_space<vmem>>) offsets(%dma_start3A_377 : memref<72xi32, #tpu.memory_space<vmem>>) semaphore(%arg23 : memref<!tpu.dma_semaphore, #tpu.memory_space<semaphore_mem>>)
        %mul3A_381 = arith.constant 8 : i32
        %mul3A_382 = arith.muli %sub3A_369, %mul3A_381 : i32
        %dma_start3A_383 = arith.constant 1 : i32
        %dma_start3A_384 = arith.constant 0 : i32
        %dma_start3A_385 = arith.constant 0 : i32
        %dma_start3A_386 = tpu.memref_slice %arg14[%dma_start3A_383, %dma_start3A_384, %dma_start3A_385] : memref<2x8x384xbf16, #tpu.memory_space<vmem>> -> memref<1x8x384xbf16, #tpu.memory_space<vmem>>
        %dma_start3A_387 = tpu.memref_squeeze %dma_start3A_386 : memref<1x8x384xbf16, #tpu.memory_space<vmem>> -> memref<8x384xbf16, #tpu.memory_space<vmem>>
        %dma_start3A_388 = tpu.memref_slice %arg11[%mul3A_382] : memref<512xi32, #tpu.memory_space<vmem>> -> memref<8xi32, #tpu.memory_space<vmem>>
        %dma_start3A_389 = arith.constant 0 : i32
        %dma_start3A_390 = arith.constant 0 : i32
        %dma_start3A_391 = tpu.memref_slice %arg19[%dma_start3A_389, %dma_start3A_390] : memref<512x384xbf16, #tpu.memory_space<vmem_shared>> -> memref<512x384xbf16, #tpu.memory_space<vmem_shared>>
        tpu.enqueue_indirect_dma source(%dma_start3A_391 : memref<512x384xbf16, #tpu.memory_space<vmem_shared>>) target(%dma_start3A_387 : memref<8x384xbf16, #tpu.memory_space<vmem>>) offsets(%dma_start3A_388 : memref<8xi32, #tpu.memory_space<vmem>>) semaphore(%arg23 : memref<!tpu.dma_semaphore, #tpu.memory_space<semaphore_mem>>)
        %mul3A_392 = arith.constant 8 : i32
        %mul3A_393 = arith.muli %sub3A_369, %mul3A_392 : i32
        %dma_start3A_394 = arith.constant 1 : i32
        %dma_start3A_395 = arith.constant 0 : i32
        %dma_start3A_396 = arith.constant 0 : i32
        %dma_start3A_397 = tpu.memref_slice %arg15[%dma_start3A_394, %dma_start3A_395, %dma_start3A_396] : memref<2x8x384xbf16, #tpu.memory_space<vmem>> -> memref<1x8x384xbf16, #tpu.memory_space<vmem>>
        %dma_start3A_398 = tpu.memref_squeeze %dma_start3A_397 : memref<1x8x384xbf16, #tpu.memory_space<vmem>> -> memref<8x384xbf16, #tpu.memory_space<vmem>>
        %dma_start3A_399 = tpu.memref_slice %arg12[%mul3A_393] : memref<512xi32, #tpu.memory_space<vmem>> -> memref<8xi32, #tpu.memory_space<vmem>>
        %dma_start3A_400 = arith.constant 0 : i32
        %dma_start3A_401 = arith.constant 0 : i32
        %dma_start3A_402 = tpu.memref_slice %arg20[%dma_start3A_400, %dma_start3A_401] : memref<512x384xbf16, #tpu.memory_space<vmem_shared>> -> memref<512x384xbf16, #tpu.memory_space<vmem_shared>>
        tpu.enqueue_indirect_dma source(%dma_start3A_402 : memref<512x384xbf16, #tpu.memory_space<vmem_shared>>) target(%dma_start3A_398 : memref<8x384xbf16, #tpu.memory_space<vmem>>) offsets(%dma_start3A_399 : memref<8xi32, #tpu.memory_space<vmem>>) semaphore(%arg23 : memref<!tpu.dma_semaphore, #tpu.memory_space<semaphore_mem>>)
      } else {
      }
      %ge3A = arith.constant 2 : i32
      %ge3A_260 = arith.cmpi sge, %add3A_222, %ge3A : i32
      %convert_element_type3A_261 = arith.extui %ge3A_260 : i1 to i32
      %cond3A_262 = arith.constant 0 : i32
      %cond3A_263 = arith.cmpi ne, %convert_element_type3A_261, %cond3A_262 : i32
      scf.if %cond3A_263 {
        %dma_wait3A_366 = arith.constant 0 : i32
        %dma_wait3A_367 = arith.constant 0 : i32
        %dma_wait3A_368 = arith.constant 0 : i32
        %dma_wait3A_369 = arith.constant 0 : i32
        %dma_wait3A_370 = tpu.memref_slice %arg16[%dma_wait3A_366, %dma_wait3A_368, %dma_wait3A_369] : memref<2x8x384xbf16, #tpu.memory_space<vmem>> -> memref<1x8x384xbf16, #tpu.memory_space<vmem>>
        %dma_wait3A_371 = tpu.memref_squeeze %dma_wait3A_370 : memref<1x8x384xbf16, #tpu.memory_space<vmem>> -> memref<8x384xbf16, #tpu.memory_space<vmem>>
        %dma_wait3A_372 = arith.constant 0 : i32
        %dma_wait3A_373 = arith.constant 0 : i32
        %dma_wait3A_374 = tpu.memref_slice %arg9[%dma_wait3A_367, %dma_wait3A_372, %dma_wait3A_373] : memref<64x129x768xbf16, #tpu.memory_space<hbm>> -> memref<1x8x384xbf16, #tpu.memory_space<hbm>>
        %dma_wait3A_375 = tpu.memref_squeeze %dma_wait3A_374 : memref<1x8x384xbf16, #tpu.memory_space<hbm>> -> memref<8x384xbf16, #tpu.memory_space<hbm>>
        %dma_wait3A_376 = arith.constant 0 : i32
        %dma_wait3A_377 = arith.constant 0 : i32
        %dma_wait3A_378 = tpu.memref_slice %arg9[%dma_wait3A_367, %dma_wait3A_376, %dma_wait3A_377] : memref<64x129x768xbf16, #tpu.memory_space<hbm>> -> memref<1x8x384xbf16, #tpu.memory_space<hbm>>
        %dma_wait3A_379 = tpu.memref_squeeze %dma_wait3A_378 : memref<1x8x384xbf16, #tpu.memory_space<hbm>> -> memref<8x384xbf16, #tpu.memory_space<hbm>>
        %dma_wait3A_380 = arith.constant 0 : i32
        %dma_wait3A_381 = arith.constant 0 : i32
        %dma_wait3A_382 = tpu.memref_slice %arg16[%dma_wait3A_366, %dma_wait3A_380, %dma_wait3A_381] : memref<2x8x384xbf16, #tpu.memory_space<vmem>> -> memref<1x8x384xbf16, #tpu.memory_space<vmem>>
        %dma_wait3A_383 = tpu.memref_squeeze %dma_wait3A_382 : memref<1x8x384xbf16, #tpu.memory_space<vmem>> -> memref<8x384xbf16, #tpu.memory_space<vmem>>
        tpu.wait_dma2 semaphore(%arg24 : memref<!tpu.dma_semaphore, #tpu.memory_space<semaphore_mem>>) src(%dma_wait3A_383 : memref<8x384xbf16, #tpu.memory_space<vmem>>) dst(%dma_wait3A_379 : memref<8x384xbf16, #tpu.memory_space<hbm>>)
      } else {
      }
      %scan3A_264 = arith.constant 0 : i32
      %scan3A_265 = arith.constant 8 : i32
      %scan3A_266 = arith.addi %scan3A_264, %scan3A_265 : i32
      %scan3A_267 = arith.constant 1 : i32
      scf.for %scan3A_366 = %scan3A_264 to %scan3A_266 step %scan3A_267  : i32 {
        %mul3A_367 = arith.constant 1 : i32
        %mul3A_368 = arith.muli %scan3A_366, %mul3A_367 : i32
        %add3A_369 = arith.constant 0 : i32
        %add3A_370 = arith.addi %add3A_369, %mul3A_368 : i32
        %scan3A_371 = arith.constant 0 : i32
        %scan3A_372 = arith.constant 12 : i32
        %scan3A_373 = arith.addi %scan3A_371, %scan3A_372 : i32
        %scan3A_374 = arith.constant 1 : i32
        scf.for %scan3A_376 = %scan3A_371 to %scan3A_373 step %scan3A_374  : i32 {
          %mul3A_377 = arith.constant 1 : i32
          %mul3A_378 = arith.muli %scan3A_376, %mul3A_377 : i32
          %add3A_379 = arith.constant 0 : i32
          %add3A_380 = arith.addi %add3A_379, %mul3A_378 : i32
          %mul3A_381 = arith.constant 32 : i32
          %mul3A_382 = arith.muli %add3A_380, %mul3A_381 : i32
          %mul3A_383 = arith.constant 9 : i32
          %mul3A_384 = arith.muli %add3A_370, %mul3A_383 : i32
          %get3A = arith.constant 0 : i32
          %get3A_385 = arith.index_cast %get3A : i32 to index
          %get3A_386 = arith.index_cast %mul3A_384 : i32 to index
          %get3A_387 = arith.index_cast %mul3A_382 : i32 to index
          %get3A_388 = tpu.vector_load %arg13[%get3A_385, %get3A_386, %get3A_387] {strides = array<i32>} : memref<2x72x384xbf16, #tpu.memory_space<vmem>>, vector<1x1x32xbf16>,
          %get3A_389 = vector.shape_cast %get3A_388 : vector<1x1x32xbf16> to vector<32xbf16>
          %mul3A_390 = arith.constant 9 : i32
          %mul3A_391 = arith.muli %add3A_370, %mul3A_390 : i32
          %add3A_392 = arith.constant 1 : i32
          %add3A_393 = arith.addi %mul3A_391, %add3A_392 : i32
          %get3A_394 = arith.constant 0 : i32
          %get3A_395 = arith.index_cast %get3A_394 : i32 to index
          %get3A_396 = arith.index_cast %add3A_393 : i32 to index
          %get3A_397 = arith.index_cast %mul3A_382 : i32 to index
          %get3A_398 = tpu.vector_load %arg13[%get3A_395, %get3A_396, %get3A_397] {strides = array<i32>} : memref<2x72x384xbf16, #tpu.memory_space<vmem>>, vector<1x1x32xbf16>,
          %get3A_399 = vector.shape_cast %get3A_398 : vector<1x1x32xbf16> to vector<32xbf16>
          %add3A_400 = arith.addf %get3A_389, %get3A_399 : vector<32xbf16>
          %mul3A_401 = arith.constant 9 : i32
          %mul3A_402 = arith.muli %add3A_370, %mul3A_401 : i32
          %add3A_403 = arith.constant 2 : i32
          %add3A_404 = arith.addi %mul3A_402, %add3A_403 : i32
          %get3A_405 = arith.constant 0 : i32
          %get3A_406 = arith.index_cast %get3A_405 : i32 to index
          %get3A_407 = arith.index_cast %add3A_404 : i32 to index
          %get3A_408 = arith.index_cast %mul3A_382 : i32 to index
          %get3A_409 = tpu.vector_load %arg13[%get3A_406, %get3A_407, %get3A_408] {strides = array<i32>} : memref<2x72x384xbf16, #tpu.memory_space<vmem>>, vector<1x1x32xbf16>,
          %get3A_410 = vector.shape_cast %get3A_409 : vector<1x1x32xbf16> to vector<32xbf16>
          %add3A_411 = arith.addf %add3A_400, %get3A_410 : vector<32xbf16>
          %mul3A_412 = arith.constant 9 : i32
          %mul3A_413 = arith.muli %add3A_370, %mul3A_412 : i32
          %add3A_414 = arith.constant 3 : i32
          %add3A_415 = arith.addi %mul3A_413, %add3A_414 : i32
          %get3A_416 = arith.constant 0 : i32
          %get3A_417 = arith.index_cast %get3A_416 : i32 to index
          %get3A_418 = arith.index_cast %add3A_415 : i32 to index
          %get3A_419 = arith.index_cast %mul3A_382 : i32 to index
          %get3A_420 = tpu.vector_load %arg13[%get3A_417, %get3A_418, %get3A_419] {strides = array<i32>} : memref<2x72x384xbf16, #tpu.memory_space<vmem>>, vector<1x1x32xbf16>,
          %get3A_421 = vector.shape_cast %get3A_420 : vector<1x1x32xbf16> to vector<32xbf16>
          %add3A_422 = arith.addf %add3A_411, %get3A_421 : vector<32xbf16>
          %mul3A_423 = arith.constant 9 : i32
          %mul3A_424 = arith.muli %add3A_370, %mul3A_423 : i32
          %add3A_425 = arith.constant 4 : i32
          %add3A_426 = arith.addi %mul3A_424, %add3A_425 : i32
          %get3A_427 = arith.constant 0 : i32
          %get3A_428 = arith.index_cast %get3A_427 : i32 to index
          %get3A_429 = arith.index_cast %add3A_426 : i32 to index
          %get3A_430 = arith.index_cast %mul3A_382 : i32 to index
          %get3A_431 = tpu.vector_load %arg13[%get3A_428, %get3A_429, %get3A_430] {strides = array<i32>} : memref<2x72x384xbf16, #tpu.memory_space<vmem>>, vector<1x1x32xbf16>,
          %get3A_432 = vector.shape_cast %get3A_431 : vector<1x1x32xbf16> to vector<32xbf16>
          %add3A_433 = arith.addf %add3A_422, %get3A_432 : vector<32xbf16>
          %mul3A_434 = arith.constant 9 : i32
          %mul3A_435 = arith.muli %add3A_370, %mul3A_434 : i32
          %add3A_436 = arith.constant 5 : i32
          %add3A_437 = arith.addi %mul3A_435, %add3A_436 : i32
          %get3A_438 = arith.constant 0 : i32
          %get3A_439 = arith.index_cast %get3A_438 : i32 to index
          %get3A_440 = arith.index_cast %add3A_437 : i32 to index
          %get3A_441 = arith.index_cast %mul3A_382 : i32 to index
          %get3A_442 = tpu.vector_load %arg13[%get3A_439, %get3A_440, %get3A_441] {strides = array<i32>} : memref<2x72x384xbf16, #tpu.memory_space<vmem>>, vector<1x1x32xbf16>,
          %get3A_443 = vector.shape_cast %get3A_442 : vector<1x1x32xbf16> to vector<32xbf16>
          %add3A_444 = arith.addf %add3A_433, %get3A_443 : vector<32xbf16>
          %mul3A_445 = arith.constant 9 : i32
          %mul3A_446 = arith.muli %add3A_370, %mul3A_445 : i32
          %add3A_447 = arith.constant 6 : i32
          %add3A_448 = arith.addi %mul3A_446, %add3A_447 : i32
          %get3A_449 = arith.constant 0 : i32
          %get3A_450 = arith.index_cast %get3A_449 : i32 to index
          %get3A_451 = arith.index_cast %add3A_448 : i32 to index
          %get3A_452 = arith.index_cast %mul3A_382 : i32 to index
          %get3A_453 = tpu.vector_load %arg13[%get3A_450, %get3A_451, %get3A_452] {strides = array<i32>} : memref<2x72x384xbf16, #tpu.memory_space<vmem>>, vector<1x1x32xbf16>,
          %get3A_454 = vector.shape_cast %get3A_453 : vector<1x1x32xbf16> to vector<32xbf16>
          %add3A_455 = arith.addf %add3A_444, %get3A_454 : vector<32xbf16>
          %mul3A_456 = arith.constant 9 : i32
          %mul3A_457 = arith.muli %add3A_370, %mul3A_456 : i32
          %add3A_458 = arith.constant 7 : i32
          %add3A_459 = arith.addi %mul3A_457, %add3A_458 : i32
          %get3A_460 = arith.constant 0 : i32
          %get3A_461 = arith.index_cast %get3A_460 : i32 to index
          %get3A_462 = arith.index_cast %add3A_459 : i32 to index
          %get3A_463 = arith.index_cast %mul3A_382 : i32 to index
          %get3A_464 = tpu.vector_load %arg13[%get3A_461, %get3A_462, %get3A_463] {strides = array<i32>} : memref<2x72x384xbf16, #tpu.memory_space<vmem>>, vector<1x1x32xbf16>,
          %get3A_465 = vector.shape_cast %get3A_464 : vector<1x1x32xbf16> to vector<32xbf16>
          %add3A_466 = arith.addf %add3A_455, %get3A_465 : vector<32xbf16>
          %mul3A_467 = arith.constant 9 : i32
          %mul3A_468 = arith.muli %add3A_370, %mul3A_467 : i32
          %add3A_469 = arith.constant 8 : i32
          %add3A_470 = arith.addi %mul3A_468, %add3A_469 : i32
          %get3A_471 = arith.constant 0 : i32
          %get3A_472 = arith.index_cast %get3A_471 : i32 to index
          %get3A_473 = arith.index_cast %add3A_470 : i32 to index
          %get3A_474 = arith.index_cast %mul3A_382 : i32 to index
          %get3A_475 = tpu.vector_load %arg13[%get3A_472, %get3A_473, %get3A_474] {strides = array<i32>} : memref<2x72x384xbf16, #tpu.memory_space<vmem>>, vector<1x1x32xbf16>,
          %get3A_476 = vector.shape_cast %get3A_475 : vector<1x1x32xbf16> to vector<32xbf16>
          %add3A_477 = arith.addf %add3A_466, %get3A_476 : vector<32xbf16>
          %get3A_478 = arith.constant 0 : i32
          %get3A_479 = arith.index_cast %get3A_478 : i32 to index
          %get3A_480 = arith.index_cast %add3A_370 : i32 to index
          %get3A_481 = arith.index_cast %mul3A_382 : i32 to index
          %get3A_482 = tpu.vector_load %arg14[%get3A_479, %get3A_480, %get3A_481] {strides = array<i32>} : memref<2x8x384xbf16, #tpu.memory_space<vmem>>, vector<1x1x32xbf16>,
          %get3A_483 = vector.shape_cast %get3A_482 : vector<1x1x32xbf16> to vector<32xbf16>
          %add3A_484 = arith.addf %add3A_477, %get3A_483 : vector<32xbf16>
          %get3A_485 = arith.constant 0 : i32
          %get3A_486 = arith.index_cast %get3A_485 : i32 to index
          %get3A_487 = arith.index_cast %add3A_370 : i32 to index
          %get3A_488 = arith.index_cast %mul3A_382 : i32 to index
          %get3A_489 = tpu.vector_load %arg15[%get3A_486, %get3A_487, %get3A_488] {strides = array<i32>} : memref<2x8x384xbf16, #tpu.memory_space<vmem>>, vector<1x1x32xbf16>,
          %get3A_490 = vector.shape_cast %get3A_489 : vector<1x1x32xbf16> to vector<32xbf16>
          %add3A_491 = arith.addf %add3A_484, %get3A_490 : vector<32xbf16>
          %swap3A = arith.constant 0 : i32
          %swap3A_492 = arith.index_cast %swap3A : i32 to index
          %swap3A_493 = arith.index_cast %add3A_370 : i32 to index
          %swap3A_494 = arith.index_cast %mul3A_382 : i32 to index
          %swap3A_495 = tpu.vector_load %arg16[%swap3A_492, %swap3A_493, %swap3A_494] {strides = array<i32>} : memref<2x8x384xbf16, #tpu.memory_space<vmem>>, vector<1x1x32xbf16>,
          %swap3A_496 = vector.shape_cast %swap3A_495 : vector<1x1x32xbf16> to vector<32xbf16>
          %swap3A_497 = vector.shape_cast %add3A_491 : vector<32xbf16> to vector<1x1x32xbf16>
          tpu.vector_store %arg16[%swap3A_492, %swap3A_493, %swap3A_494], %swap3A_497 {strides = array<i32>} : memref<2x8x384xbf16, #tpu.memory_space<vmem>>, vector<1x1x32xbf16>,
        }
        %scan3A_375 = arith.constant 12 : i32
      }
      %scan3A_268 = arith.constant 8 : i32
      %mul3A_269 = arith.constant 4 : i32
      %mul3A_270 = arith.muli %arg1, %mul3A_269 : i32
      %div3A = arith.constant 16 : i32
      %div3A_271 = arith.divsi %add3A_222, %div3A : i32
      %add3A_272 = arith.addi %mul3A_270, %div3A_271 : i32
      %rem3A = arith.constant 16 : i32
      %rem3A_273 = arith.remsi %add3A_222, %rem3A : i32
      %mul3A_274 = arith.constant 8 : i32
      %mul3A_275 = arith.muli %rem3A_273, %mul3A_274 : i32
      %add3A_276 = arith.constant 1 : i32
      %add3A_277 = arith.addi %add3A_276, %mul3A_275 : i32
      %dma_start3A_278 = arith.constant 0 : i32
      %dma_start3A_279 = arith.constant 0 : i32
      %dma_start3A_280 = arith.constant 0 : i32
      %dma_start3A_281 = tpu.memref_slice %arg16[%dma_start3A_278, %dma_start3A_279, %dma_start3A_280] : memref<2x8x384xbf16, #tpu.memory_space<vmem>> -> memref<1x8x384xbf16, #tpu.memory_space<vmem>>
      %dma_start3A_282 = tpu.memref_squeeze %dma_start3A_281 : memref<1x8x384xbf16, #tpu.memory_space<vmem>> -> memref<8x384xbf16, #tpu.memory_space<vmem>>
      %dma_start3A_283 = tpu.memref_slice %arg9[%add3A_272, %add3A_277, %mul3A_0] : memref<64x129x768xbf16, #tpu.memory_space<hbm>> -> memref<1x8x384xbf16, #tpu.memory_space<hbm>>
      %dma_start3A_284 = tpu.memref_squeeze %dma_start3A_283 : memref<1x8x384xbf16, #tpu.memory_space<hbm>> -> memref<8x384xbf16, #tpu.memory_space<hbm>>
      %dma_start3A_285 = tpu.memref_slice %arg9[%add3A_272, %add3A_277, %mul3A_0] : memref<64x129x768xbf16, #tpu.memory_space<hbm>> -> memref<1x8x384xbf16, #tpu.memory_space<hbm>>
      %dma_start3A_286 = tpu.memref_squeeze %dma_start3A_285 : memref<1x8x384xbf16, #tpu.memory_space<hbm>> -> memref<8x384xbf16, #tpu.memory_space<hbm>>
      %dma_start3A_287 = arith.constant 0 : i32
      %dma_start3A_288 = arith.constant 0 : i32
      %dma_start3A_289 = tpu.memref_slice %arg16[%dma_start3A_278, %dma_start3A_287, %dma_start3A_288] : memref<2x8x384xbf16, #tpu.memory_space<vmem>> -> memref<1x8x384xbf16, #tpu.memory_space<vmem>>
      %dma_start3A_290 = tpu.memref_squeeze %dma_start3A_289 : memref<1x8x384xbf16, #tpu.memory_space<vmem>> -> memref<8x384xbf16, #tpu.memory_space<vmem>>
      tpu.enqueue_dma source(%dma_start3A_290 : memref<8x384xbf16, #tpu.memory_space<vmem>>) target(%dma_start3A_286 : memref<8x384xbf16, #tpu.memory_space<hbm>>) target_semaphore(%arg24 : memref<!tpu.dma_semaphore, #tpu.memory_space<semaphore_mem>>)
      %add3A_291 = arith.constant 1 : i32
      %add3A_292 = arith.addi %add3A_220, %add3A_291 : i32
      %dma_wait3A_293 = arith.constant 1 : i32
      %dma_wait3A_294 = arith.constant 0 : i32
      %dma_wait3A_295 = arith.constant 0 : i32
      %dma_wait3A_296 = tpu.memref_slice %arg13[%dma_wait3A_293, %dma_wait3A_294, %dma_wait3A_295] : memref<2x72x384xbf16, #tpu.memory_space<vmem>> -> memref<1x72x384xbf16, #tpu.memory_space<vmem>>
      %dma_wait3A_297 = tpu.memref_squeeze %dma_wait3A_296 : memref<1x72x384xbf16, #tpu.memory_space<vmem>> -> memref<72x384xbf16, #tpu.memory_space<vmem>>
      %dma_wait3A_298 = arith.constant 0 : i32
      %dma_wait3A_299 = tpu.memref_slice %arg10[%dma_wait3A_298] : memref<4608xi32, #tpu.memory_space<vmem>> -> memref<72xi32, #tpu.memory_space<vmem>>
      %dma_wait3A_300 = arith.constant 0 : i32
      %dma_wait3A_301 = arith.constant 0 : i32
      %dma_wait3A_302 = tpu.memref_slice %arg18[%dma_wait3A_300, %dma_wait3A_301] : memref<4609x384xbf16, #tpu.memory_space<vmem_shared>> -> memref<4609x384xbf16, #tpu.memory_space<vmem_shared>>
      tpu.wait_indirect_dma semaphore(%arg23 : memref<!tpu.dma_semaphore, #tpu.memory_space<semaphore_mem>>) src(%dma_wait3A_302 : memref<4609x384xbf16, #tpu.memory_space<vmem_shared>>) dst(%dma_wait3A_297 : memref<72x384xbf16, #tpu.memory_space<vmem>>)
      %dma_wait3A_303 = arith.constant 1 : i32
      %dma_wait3A_304 = arith.constant 0 : i32
      %dma_wait3A_305 = arith.constant 0 : i32
      %dma_wait3A_306 = tpu.memref_slice %arg14[%dma_wait3A_303, %dma_wait3A_304, %dma_wait3A_305] : memref<2x8x384xbf16, #tpu.memory_space<vmem>> -> memref<1x8x384xbf16, #tpu.memory_space<vmem>>
      %dma_wait3A_307 = tpu.memref_squeeze %dma_wait3A_306 : memref<1x8x384xbf16, #tpu.memory_space<vmem>> -> memref<8x384xbf16, #tpu.memory_space<vmem>>
      %dma_wait3A_308 = arith.constant 0 : i32
      %dma_wait3A_309 = tpu.memref_slice %arg11[%dma_wait3A_308] : memref<512xi32, #tpu.memory_space<vmem>> -> memref<8xi32, #tpu.memory_space<vmem>>
      %dma_wait3A_310 = arith.constant 0 : i32
      %dma_wait3A_311 = arith.constant 0 : i32
      %dma_wait3A_312 = tpu.memref_slice %arg19[%dma_wait3A_310, %dma_wait3A_311] : memref<512x384xbf16, #tpu.memory_space<vmem_shared>> -> memref<512x384xbf16, #tpu.memory_space<vmem_shared>>
      tpu.wait_indirect_dma semaphore(%arg23 : memref<!tpu.dma_semaphore, #tpu.memory_space<semaphore_mem>>) src(%dma_wait3A_312 : memref<512x384xbf16, #tpu.memory_space<vmem_shared>>) dst(%dma_wait3A_307 : memref<8x384xbf16, #tpu.memory_space<vmem>>)
      %dma_wait3A_313 = arith.constant 1 : i32
      %dma_wait3A_314 = arith.constant 0 : i32
      %dma_wait3A_315 = arith.constant 0 : i32
      %dma_wait3A_316 = tpu.memref_slice %arg15[%dma_wait3A_313, %dma_wait3A_314, %dma_wait3A_315] : memref<2x8x384xbf16, #tpu.memory_space<vmem>> -> memref<1x8x384xbf16, #tpu.memory_space<vmem>>
      %dma_wait3A_317 = tpu.memref_squeeze %dma_wait3A_316 : memref<1x8x384xbf16, #tpu.memory_space<vmem>> -> memref<8x384xbf16, #tpu.memory_space<vmem>>
      %dma_wait3A_318 = arith.constant 0 : i32
      %dma_wait3A_319 = tpu.memref_slice %arg12[%dma_wait3A_318] : memref<512xi32, #tpu.memory_space<vmem>> -> memref<8xi32, #tpu.memory_space<vmem>>
      %dma_wait3A_320 = arith.constant 0 : i32
      %dma_wait3A_321 = arith.constant 0 : i32
      %dma_wait3A_322 = tpu.memref_slice %arg20[%dma_wait3A_320, %dma_wait3A_321] : memref<512x384xbf16, #tpu.memory_space<vmem_shared>> -> memref<512x384xbf16, #tpu.memory_space<vmem_shared>>
      tpu.wait_indirect_dma semaphore(%arg23 : memref<!tpu.dma_semaphore, #tpu.memory_space<semaphore_mem>>) src(%dma_wait3A_322 : memref<512x384xbf16, #tpu.memory_space<vmem_shared>>) dst(%dma_wait3A_317 : memref<8x384xbf16, #tpu.memory_space<vmem>>)
      %add3A_323 = arith.constant 2 : i32
      %add3A_324 = arith.addi %add3A_292, %add3A_323 : i32
      %sub3A_325 = arith.constant 1 : i32
      %sub3A_326 = arith.subi %add3A_324, %sub3A_325 : i32
      %lt3A_327 = arith.constant 64 : i32
      %lt3A_328 = arith.cmpi slt, %sub3A_326, %lt3A_327 : i32
      %convert_element_type3A_329 = arith.extui %lt3A_328 : i1 to i32
      %cond3A_330 = arith.constant 0 : i32
      %cond3A_331 = arith.cmpi ne, %convert_element_type3A_329, %cond3A_330 : i32
      scf.if %cond3A_331 {
        %add3A_366 = arith.constant 2 : i32
        %add3A_367 = arith.addi %add3A_292, %add3A_366 : i32
        %sub3A_368 = arith.constant 1 : i32
        %sub3A_369 = arith.subi %add3A_367, %sub3A_368 : i32
        %mul3A_370 = arith.constant 72 : i32
        %mul3A_371 = arith.muli %sub3A_369, %mul3A_370 : i32
        %dma_start3A_372 = arith.constant 0 : i32
        %dma_start3A_373 = arith.constant 0 : i32
        %dma_start3A_374 = arith.constant 0 : i32
        %dma_start3A_375 = tpu.memref_slice %arg13[%dma_start3A_372, %dma_start3A_373, %dma_start3A_374] : memref<2x72x384xbf16, #tpu.memory_space<vmem>> -> memref<1x72x384xbf16, #tpu.memory_space<vmem>>
        %dma_start3A_376 = tpu.memref_squeeze %dma_start3A_375 : memref<1x72x384xbf16, #tpu.memory_space<vmem>> -> memref<72x384xbf16, #tpu.memory_space<vmem>>
        %dma_start3A_377 = tpu.memref_slice %arg10[%mul3A_371] : memref<4608xi32, #tpu.memory_space<vmem>> -> memref<72xi32, #tpu.memory_space<vmem>>
        %dma_start3A_378 = arith.constant 0 : i32
        %dma_start3A_379 = arith.constant 0 : i32
        %dma_start3A_380 = tpu.memref_slice %arg18[%dma_start3A_378, %dma_start3A_379] : memref<4609x384xbf16, #tpu.memory_space<vmem_shared>> -> memref<4609x384xbf16, #tpu.memory_space<vmem_shared>>
        tpu.enqueue_indirect_dma source(%dma_start3A_380 : memref<4609x384xbf16, #tpu.memory_space<vmem_shared>>) target(%dma_start3A_376 : memref<72x384xbf16, #tpu.memory_space<vmem>>) offsets(%dma_start3A_377 : memref<72xi32, #tpu.memory_space<vmem>>) semaphore(%arg22 : memref<!tpu.dma_semaphore, #tpu.memory_space<semaphore_mem>>)
        %mul3A_381 = arith.constant 8 : i32
        %mul3A_382 = arith.muli %sub3A_369, %mul3A_381 : i32
        %dma_start3A_383 = arith.constant 0 : i32
        %dma_start3A_384 = arith.constant 0 : i32
        %dma_start3A_385 = arith.constant 0 : i32
        %dma_start3A_386 = tpu.memref_slice %arg14[%dma_start3A_383, %dma_start3A_384, %dma_start3A_385] : memref<2x8x384xbf16, #tpu.memory_space<vmem>> -> memref<1x8x384xbf16, #tpu.memory_space<vmem>>
        %dma_start3A_387 = tpu.memref_squeeze %dma_start3A_386 : memref<1x8x384xbf16, #tpu.memory_space<vmem>> -> memref<8x384xbf16, #tpu.memory_space<vmem>>
        %dma_start3A_388 = tpu.memref_slice %arg11[%mul3A_382] : memref<512xi32, #tpu.memory_space<vmem>> -> memref<8xi32, #tpu.memory_space<vmem>>
        %dma_start3A_389 = arith.constant 0 : i32
        %dma_start3A_390 = arith.constant 0 : i32
        %dma_start3A_391 = tpu.memref_slice %arg19[%dma_start3A_389, %dma_start3A_390] : memref<512x384xbf16, #tpu.memory_space<vmem_shared>> -> memref<512x384xbf16, #tpu.memory_space<vmem_shared>>
        tpu.enqueue_indirect_dma source(%dma_start3A_391 : memref<512x384xbf16, #tpu.memory_space<vmem_shared>>) target(%dma_start3A_387 : memref<8x384xbf16, #tpu.memory_space<vmem>>) offsets(%dma_start3A_388 : memref<8xi32, #tpu.memory_space<vmem>>) semaphore(%arg22 : memref<!tpu.dma_semaphore, #tpu.memory_space<semaphore_mem>>)
        %mul3A_392 = arith.constant 8 : i32
        %mul3A_393 = arith.muli %sub3A_369, %mul3A_392 : i32
        %dma_start3A_394 = arith.constant 0 : i32
        %dma_start3A_395 = arith.constant 0 : i32
        %dma_start3A_396 = arith.constant 0 : i32
        %dma_start3A_397 = tpu.memref_slice %arg15[%dma_start3A_394, %dma_start3A_395, %dma_start3A_396] : memref<2x8x384xbf16, #tpu.memory_space<vmem>> -> memref<1x8x384xbf16, #tpu.memory_space<vmem>>
        %dma_start3A_398 = tpu.memref_squeeze %dma_start3A_397 : memref<1x8x384xbf16, #tpu.memory_space<vmem>> -> memref<8x384xbf16, #tpu.memory_space<vmem>>
        %dma_start3A_399 = tpu.memref_slice %arg12[%mul3A_393] : memref<512xi32, #tpu.memory_space<vmem>> -> memref<8xi32, #tpu.memory_space<vmem>>
        %dma_start3A_400 = arith.constant 0 : i32
        %dma_start3A_401 = arith.constant 0 : i32
        %dma_start3A_402 = tpu.memref_slice %arg20[%dma_start3A_400, %dma_start3A_401] : memref<512x384xbf16, #tpu.memory_space<vmem_shared>> -> memref<512x384xbf16, #tpu.memory_space<vmem_shared>>
        tpu.enqueue_indirect_dma source(%dma_start3A_402 : memref<512x384xbf16, #tpu.memory_space<vmem_shared>>) target(%dma_start3A_398 : memref<8x384xbf16, #tpu.memory_space<vmem>>) offsets(%dma_start3A_399 : memref<8xi32, #tpu.memory_space<vmem>>) semaphore(%arg22 : memref<!tpu.dma_semaphore, #tpu.memory_space<semaphore_mem>>)
      } else {
      }
      %ge3A_332 = arith.constant 2 : i32
      %ge3A_333 = arith.cmpi sge, %add3A_292, %ge3A_332 : i32
      %convert_element_type3A_334 = arith.extui %ge3A_333 : i1 to i32
      %cond3A_335 = arith.constant 0 : i32
      %cond3A_336 = arith.cmpi ne, %convert_element_type3A_334, %cond3A_335 : i32
      scf.if %cond3A_336 {
        %dma_wait3A_366 = arith.constant 1 : i32
        %dma_wait3A_367 = arith.constant 0 : i32
        %dma_wait3A_368 = arith.constant 0 : i32
        %dma_wait3A_369 = arith.constant 0 : i32
        %dma_wait3A_370 = tpu.memref_slice %arg16[%dma_wait3A_366, %dma_wait3A_368, %dma_wait3A_369] : memref<2x8x384xbf16, #tpu.memory_space<vmem>> -> memref<1x8x384xbf16, #tpu.memory_space<vmem>>
        %dma_wait3A_371 = tpu.memref_squeeze %dma_wait3A_370 : memref<1x8x384xbf16, #tpu.memory_space<vmem>> -> memref<8x384xbf16, #tpu.memory_space<vmem>>
        %dma_wait3A_372 = arith.constant 0 : i32
        %dma_wait3A_373 = arith.constant 0 : i32
        %dma_wait3A_374 = tpu.memref_slice %arg9[%dma_wait3A_367, %dma_wait3A_372, %dma_wait3A_373] : memref<64x129x768xbf16, #tpu.memory_space<hbm>> -> memref<1x8x384xbf16, #tpu.memory_space<hbm>>
        %dma_wait3A_375 = tpu.memref_squeeze %dma_wait3A_374 : memref<1x8x384xbf16, #tpu.memory_space<hbm>> -> memref<8x384xbf16, #tpu.memory_space<hbm>>
        %dma_wait3A_376 = arith.constant 0 : i32
        %dma_wait3A_377 = arith.constant 0 : i32
        %dma_wait3A_378 = tpu.memref_slice %arg9[%dma_wait3A_367, %dma_wait3A_376, %dma_wait3A_377] : memref<64x129x768xbf16, #tpu.memory_space<hbm>> -> memref<1x8x384xbf16, #tpu.memory_space<hbm>>
        %dma_wait3A_379 = tpu.memref_squeeze %dma_wait3A_378 : memref<1x8x384xbf16, #tpu.memory_space<hbm>> -> memref<8x384xbf16, #tpu.memory_space<hbm>>
        %dma_wait3A_380 = arith.constant 0 : i32
        %dma_wait3A_381 = arith.constant 0 : i32
        %dma_wait3A_382 = tpu.memref_slice %arg16[%dma_wait3A_366, %dma_wait3A_380, %dma_wait3A_381] : memref<2x8x384xbf16, #tpu.memory_space<vmem>> -> memref<1x8x384xbf16, #tpu.memory_space<vmem>>
        %dma_wait3A_383 = tpu.memref_squeeze %dma_wait3A_382 : memref<1x8x384xbf16, #tpu.memory_space<vmem>> -> memref<8x384xbf16, #tpu.memory_space<vmem>>
        tpu.wait_dma2 semaphore(%arg25 : memref<!tpu.dma_semaphore, #tpu.memory_space<semaphore_mem>>) src(%dma_wait3A_383 : memref<8x384xbf16, #tpu.memory_space<vmem>>) dst(%dma_wait3A_379 : memref<8x384xbf16, #tpu.memory_space<hbm>>)
      } else {
      }
      %scan3A_337 = arith.constant 0 : i32
      %scan3A_338 = arith.constant 8 : i32
      %scan3A_339 = arith.addi %scan3A_337, %scan3A_338 : i32
      %scan3A_340 = arith.constant 1 : i32
      scf.for %scan3A_366 = %scan3A_337 to %scan3A_339 step %scan3A_340  : i32 {
        %mul3A_367 = arith.constant 1 : i32
        %mul3A_368 = arith.muli %scan3A_366, %mul3A_367 : i32
        %add3A_369 = arith.constant 0 : i32
        %add3A_370 = arith.addi %add3A_369, %mul3A_368 : i32
        %scan3A_371 = arith.constant 0 : i32
        %scan3A_372 = arith.constant 12 : i32
        %scan3A_373 = arith.addi %scan3A_371, %scan3A_372 : i32
        %scan3A_374 = arith.constant 1 : i32
        scf.for %scan3A_376 = %scan3A_371 to %scan3A_373 step %scan3A_374  : i32 {
          %mul3A_377 = arith.constant 1 : i32
          %mul3A_378 = arith.muli %scan3A_376, %mul3A_377 : i32
          %add3A_379 = arith.constant 0 : i32
          %add3A_380 = arith.addi %add3A_379, %mul3A_378 : i32
          %mul3A_381 = arith.constant 32 : i32
          %mul3A_382 = arith.muli %add3A_380, %mul3A_381 : i32
          %mul3A_383 = arith.constant 9 : i32
          %mul3A_384 = arith.muli %add3A_370, %mul3A_383 : i32
          %get3A = arith.constant 1 : i32
          %get3A_385 = arith.index_cast %get3A : i32 to index
          %get3A_386 = arith.index_cast %mul3A_384 : i32 to index
          %get3A_387 = arith.index_cast %mul3A_382 : i32 to index
          %get3A_388 = tpu.vector_load %arg13[%get3A_385, %get3A_386, %get3A_387] {strides = array<i32>} : memref<2x72x384xbf16, #tpu.memory_space<vmem>>, vector<1x1x32xbf16>,
          %get3A_389 = vector.shape_cast %get3A_388 : vector<1x1x32xbf16> to vector<32xbf16>
          %mul3A_390 = arith.constant 9 : i32
          %mul3A_391 = arith.muli %add3A_370, %mul3A_390 : i32
          %add3A_392 = arith.constant 1 : i32
          %add3A_393 = arith.addi %mul3A_391, %add3A_392 : i32
          %get3A_394 = arith.constant 1 : i32
          %get3A_395 = arith.index_cast %get3A_394 : i32 to index
          %get3A_396 = arith.index_cast %add3A_393 : i32 to index
          %get3A_397 = arith.index_cast %mul3A_382 : i32 to index
          %get3A_398 = tpu.vector_load %arg13[%get3A_395, %get3A_396, %get3A_397] {strides = array<i32>} : memref<2x72x384xbf16, #tpu.memory_space<vmem>>, vector<1x1x32xbf16>,
          %get3A_399 = vector.shape_cast %get3A_398 : vector<1x1x32xbf16> to vector<32xbf16>
          %add3A_400 = arith.addf %get3A_389, %get3A_399 : vector<32xbf16>
          %mul3A_401 = arith.constant 9 : i32
          %mul3A_402 = arith.muli %add3A_370, %mul3A_401 : i32
          %add3A_403 = arith.constant 2 : i32
          %add3A_404 = arith.addi %mul3A_402, %add3A_403 : i32
          %get3A_405 = arith.constant 1 : i32
          %get3A_406 = arith.index_cast %get3A_405 : i32 to index
          %get3A_407 = arith.index_cast %add3A_404 : i32 to index
          %get3A_408 = arith.index_cast %mul3A_382 : i32 to index
          %get3A_409 = tpu.vector_load %arg13[%get3A_406, %get3A_407, %get3A_408] {strides = array<i32>} : memref<2x72x384xbf16, #tpu.memory_space<vmem>>, vector<1x1x32xbf16>,
          %get3A_410 = vector.shape_cast %get3A_409 : vector<1x1x32xbf16> to vector<32xbf16>
          %add3A_411 = arith.addf %add3A_400, %get3A_410 : vector<32xbf16>
          %mul3A_412 = arith.constant 9 : i32
          %mul3A_413 = arith.muli %add3A_370, %mul3A_412 : i32
          %add3A_414 = arith.constant 3 : i32
          %add3A_415 = arith.addi %mul3A_413, %add3A_414 : i32
          %get3A_416 = arith.constant 1 : i32
          %get3A_417 = arith.index_cast %get3A_416 : i32 to index
          %get3A_418 = arith.index_cast %add3A_415 : i32 to index
          %get3A_419 = arith.index_cast %mul3A_382 : i32 to index
          %get3A_420 = tpu.vector_load %arg13[%get3A_417, %get3A_418, %get3A_419] {strides = array<i32>} : memref<2x72x384xbf16, #tpu.memory_space<vmem>>, vector<1x1x32xbf16>,
          %get3A_421 = vector.shape_cast %get3A_420 : vector<1x1x32xbf16> to vector<32xbf16>
          %add3A_422 = arith.addf %add3A_411, %get3A_421 : vector<32xbf16>
          %mul3A_423 = arith.constant 9 : i32
          %mul3A_424 = arith.muli %add3A_370, %mul3A_423 : i32
          %add3A_425 = arith.constant 4 : i32
          %add3A_426 = arith.addi %mul3A_424, %add3A_425 : i32
          %get3A_427 = arith.constant 1 : i32
          %get3A_428 = arith.index_cast %get3A_427 : i32 to index
          %get3A_429 = arith.index_cast %add3A_426 : i32 to index
          %get3A_430 = arith.index_cast %mul3A_382 : i32 to index
          %get3A_431 = tpu.vector_load %arg13[%get3A_428, %get3A_429, %get3A_430] {strides = array<i32>} : memref<2x72x384xbf16, #tpu.memory_space<vmem>>, vector<1x1x32xbf16>,
          %get3A_432 = vector.shape_cast %get3A_431 : vector<1x1x32xbf16> to vector<32xbf16>
          %add3A_433 = arith.addf %add3A_422, %get3A_432 : vector<32xbf16>
          %mul3A_434 = arith.constant 9 : i32
          %mul3A_435 = arith.muli %add3A_370, %mul3A_434 : i32
          %add3A_436 = arith.constant 5 : i32
          %add3A_437 = arith.addi %mul3A_435, %add3A_436 : i32
          %get3A_438 = arith.constant 1 : i32
          %get3A_439 = arith.index_cast %get3A_438 : i32 to index
          %get3A_440 = arith.index_cast %add3A_437 : i32 to index
          %get3A_441 = arith.index_cast %mul3A_382 : i32 to index
          %get3A_442 = tpu.vector_load %arg13[%get3A_439, %get3A_440, %get3A_441] {strides = array<i32>} : memref<2x72x384xbf16, #tpu.memory_space<vmem>>, vector<1x1x32xbf16>,
          %get3A_443 = vector.shape_cast %get3A_442 : vector<1x1x32xbf16> to vector<32xbf16>
          %add3A_444 = arith.addf %add3A_433, %get3A_443 : vector<32xbf16>
          %mul3A_445 = arith.constant 9 : i32
          %mul3A_446 = arith.muli %add3A_370, %mul3A_445 : i32
          %add3A_447 = arith.constant 6 : i32
          %add3A_448 = arith.addi %mul3A_446, %add3A_447 : i32
          %get3A_449 = arith.constant 1 : i32
          %get3A_450 = arith.index_cast %get3A_449 : i32 to index
          %get3A_451 = arith.index_cast %add3A_448 : i32 to index
          %get3A_452 = arith.index_cast %mul3A_382 : i32 to index
          %get3A_453 = tpu.vector_load %arg13[%get3A_450, %get3A_451, %get3A_452] {strides = array<i32>} : memref<2x72x384xbf16, #tpu.memory_space<vmem>>, vector<1x1x32xbf16>,
          %get3A_454 = vector.shape_cast %get3A_453 : vector<1x1x32xbf16> to vector<32xbf16>
          %add3A_455 = arith.addf %add3A_444, %get3A_454 : vector<32xbf16>
          %mul3A_456 = arith.constant 9 : i32
          %mul3A_457 = arith.muli %add3A_370, %mul3A_456 : i32
          %add3A_458 = arith.constant 7 : i32
          %add3A_459 = arith.addi %mul3A_457, %add3A_458 : i32
          %get3A_460 = arith.constant 1 : i32
          %get3A_461 = arith.index_cast %get3A_460 : i32 to index
          %get3A_462 = arith.index_cast %add3A_459 : i32 to index
          %get3A_463 = arith.index_cast %mul3A_382 : i32 to index
          %get3A_464 = tpu.vector_load %arg13[%get3A_461, %get3A_462, %get3A_463] {strides = array<i32>} : memref<2x72x384xbf16, #tpu.memory_space<vmem>>, vector<1x1x32xbf16>,
          %get3A_465 = vector.shape_cast %get3A_464 : vector<1x1x32xbf16> to vector<32xbf16>
          %add3A_466 = arith.addf %add3A_455, %get3A_465 : vector<32xbf16>
          %mul3A_467 = arith.constant 9 : i32
          %mul3A_468 = arith.muli %add3A_370, %mul3A_467 : i32
          %add3A_469 = arith.constant 8 : i32
          %add3A_470 = arith.addi %mul3A_468, %add3A_469 : i32
          %get3A_471 = arith.constant 1 : i32
          %get3A_472 = arith.index_cast %get3A_471 : i32 to index
          %get3A_473 = arith.index_cast %add3A_470 : i32 to index
          %get3A_474 = arith.index_cast %mul3A_382 : i32 to index
          %get3A_475 = tpu.vector_load %arg13[%get3A_472, %get3A_473, %get3A_474] {strides = array<i32>} : memref<2x72x384xbf16, #tpu.memory_space<vmem>>, vector<1x1x32xbf16>,
          %get3A_476 = vector.shape_cast %get3A_475 : vector<1x1x32xbf16> to vector<32xbf16>
          %add3A_477 = arith.addf %add3A_466, %get3A_476 : vector<32xbf16>
          %get3A_478 = arith.constant 1 : i32
          %get3A_479 = arith.index_cast %get3A_478 : i32 to index
          %get3A_480 = arith.index_cast %add3A_370 : i32 to index
          %get3A_481 = arith.index_cast %mul3A_382 : i32 to index
          %get3A_482 = tpu.vector_load %arg14[%get3A_479, %get3A_480, %get3A_481] {strides = array<i32>} : memref<2x8x384xbf16, #tpu.memory_space<vmem>>, vector<1x1x32xbf16>,
          %get3A_483 = vector.shape_cast %get3A_482 : vector<1x1x32xbf16> to vector<32xbf16>
          %add3A_484 = arith.addf %add3A_477, %get3A_483 : vector<32xbf16>
          %get3A_485 = arith.constant 1 : i32
          %get3A_486 = arith.index_cast %get3A_485 : i32 to index
          %get3A_487 = arith.index_cast %add3A_370 : i32 to index
          %get3A_488 = arith.index_cast %mul3A_382 : i32 to index
          %get3A_489 = tpu.vector_load %arg15[%get3A_486, %get3A_487, %get3A_488] {strides = array<i32>} : memref<2x8x384xbf16, #tpu.memory_space<vmem>>, vector<1x1x32xbf16>,
          %get3A_490 = vector.shape_cast %get3A_489 : vector<1x1x32xbf16> to vector<32xbf16>
          %add3A_491 = arith.addf %add3A_484, %get3A_490 : vector<32xbf16>
          %swap3A = arith.constant 1 : i32
          %swap3A_492 = arith.index_cast %swap3A : i32 to index
          %swap3A_493 = arith.index_cast %add3A_370 : i32 to index
          %swap3A_494 = arith.index_cast %mul3A_382 : i32 to index
          %swap3A_495 = tpu.vector_load %arg16[%swap3A_492, %swap3A_493, %swap3A_494] {strides = array<i32>} : memref<2x8x384xbf16, #tpu.memory_space<vmem>>, vector<1x1x32xbf16>,
          %swap3A_496 = vector.shape_cast %swap3A_495 : vector<1x1x32xbf16> to vector<32xbf16>
          %swap3A_497 = vector.shape_cast %add3A_491 : vector<32xbf16> to vector<1x1x32xbf16>
          tpu.vector_store %arg16[%swap3A_492, %swap3A_493, %swap3A_494], %swap3A_497 {strides = array<i32>} : memref<2x8x384xbf16, #tpu.memory_space<vmem>>, vector<1x1x32xbf16>,
        }
        %scan3A_375 = arith.constant 12 : i32
      }
      %scan3A_341 = arith.constant 8 : i32
      %mul3A_342 = arith.constant 4 : i32
      %mul3A_343 = arith.muli %arg1, %mul3A_342 : i32
      %div3A_344 = arith.constant 16 : i32
      %div3A_345 = arith.divsi %add3A_292, %div3A_344 : i32
      %add3A_346 = arith.addi %mul3A_343, %div3A_345 : i32
      %rem3A_347 = arith.constant 16 : i32
      %rem3A_348 = arith.remsi %add3A_292, %rem3A_347 : i32
      %mul3A_349 = arith.constant 8 : i32
      %mul3A_350 = arith.muli %rem3A_348, %mul3A_349 : i32
      %add3A_351 = arith.constant 1 : i32
      %add3A_352 = arith.addi %add3A_351, %mul3A_350 : i32
      %dma_start3A_353 = arith.constant 1 : i32
      %dma_start3A_354 = arith.constant 0 : i32
      %dma_start3A_355 = arith.constant 0 : i32
      %dma_start3A_356 = tpu.memref_slice %arg16[%dma_start3A_353, %dma_start3A_354, %dma_start3A_355] : memref<2x8x384xbf16, #tpu.memory_space<vmem>> -> memref<1x8x384xbf16, #tpu.memory_space<vmem>>
      %dma_start3A_357 = tpu.memref_squeeze %dma_start3A_356 : memref<1x8x384xbf16, #tpu.memory_space<vmem>> -> memref<8x384xbf16, #tpu.memory_space<vmem>>
      %dma_start3A_358 = tpu.memref_slice %arg9[%add3A_346, %add3A_352, %mul3A_0] : memref<64x129x768xbf16, #tpu.memory_space<hbm>> -> memref<1x8x384xbf16, #tpu.memory_space<hbm>>
      %dma_start3A_359 = tpu.memref_squeeze %dma_start3A_358 : memref<1x8x384xbf16, #tpu.memory_space<hbm>> -> memref<8x384xbf16, #tpu.memory_space<hbm>>
      %dma_start3A_360 = tpu.memref_slice %arg9[%add3A_346, %add3A_352, %mul3A_0] : memref<64x129x768xbf16, #tpu.memory_space<hbm>> -> memref<1x8x384xbf16, #tpu.memory_space<hbm>>
      %dma_start3A_361 = tpu.memref_squeeze %dma_start3A_360 : memref<1x8x384xbf16, #tpu.memory_space<hbm>> -> memref<8x384xbf16, #tpu.memory_space<hbm>>
      %dma_start3A_362 = arith.constant 0 : i32
      %dma_start3A_363 = arith.constant 0 : i32
      %dma_start3A_364 = tpu.memref_slice %arg16[%dma_start3A_353, %dma_start3A_362, %dma_start3A_363] : memref<2x8x384xbf16, #tpu.memory_space<vmem>> -> memref<1x8x384xbf16, #tpu.memory_space<vmem>>
      %dma_start3A_365 = tpu.memref_squeeze %dma_start3A_364 : memref<1x8x384xbf16, #tpu.memory_space<vmem>> -> memref<8x384xbf16, #tpu.memory_space<vmem>>
      tpu.enqueue_dma source(%dma_start3A_365 : memref<8x384xbf16, #tpu.memory_space<vmem>>) target(%dma_start3A_361 : memref<8x384xbf16, #tpu.memory_space<hbm>>) target_semaphore(%arg25 : memref<!tpu.dma_semaphore, #tpu.memory_space<semaphore_mem>>)
    }
    %scan3A_143 = arith.constant 32 : i32
    %dma_wait3A_144 = arith.constant 0 : i32
    %dma_wait3A_145 = arith.constant 0 : i32
    %dma_wait3A_146 = arith.constant 0 : i32
    %dma_wait3A_147 = arith.constant 0 : i32
    %dma_wait3A_148 = tpu.memref_slice %arg16[%dma_wait3A_144, %dma_wait3A_146, %dma_wait3A_147] : memref<2x8x384xbf16, #tpu.memory_space<vmem>> -> memref<1x8x384xbf16, #tpu.memory_space<vmem>>
    %dma_wait3A_149 = tpu.memref_squeeze %dma_wait3A_148 : memref<1x8x384xbf16, #tpu.memory_space<vmem>> -> memref<8x384xbf16, #tpu.memory_space<vmem>>
    %dma_wait3A_150 = arith.constant 0 : i32
    %dma_wait3A_151 = arith.constant 0 : i32
    %dma_wait3A_152 = tpu.memref_slice %arg9[%dma_wait3A_145, %dma_wait3A_150, %dma_wait3A_151] : memref<64x129x768xbf16, #tpu.memory_space<hbm>> -> memref<1x8x384xbf16, #tpu.memory_space<hbm>>
    %dma_wait3A_153 = tpu.memref_squeeze %dma_wait3A_152 : memref<1x8x384xbf16, #tpu.memory_space<hbm>> -> memref<8x384xbf16, #tpu.memory_space<hbm>>
    %dma_wait3A_154 = arith.constant 0 : i32
    %dma_wait3A_155 = arith.constant 0 : i32
    %dma_wait3A_156 = tpu.memref_slice %arg9[%dma_wait3A_145, %dma_wait3A_154, %dma_wait3A_155] : memref<64x129x768xbf16, #tpu.memory_space<hbm>> -> memref<1x8x384xbf16, #tpu.memory_space<hbm>>
    %dma_wait3A_157 = tpu.memref_squeeze %dma_wait3A_156 : memref<1x8x384xbf16, #tpu.memory_space<hbm>> -> memref<8x384xbf16, #tpu.memory_space<hbm>>
    %dma_wait3A_158 = arith.constant 0 : i32
    %dma_wait3A_159 = arith.constant 0 : i32
    %dma_wait3A_160 = tpu.memref_slice %arg16[%dma_wait3A_144, %dma_wait3A_158, %dma_wait3A_159] : memref<2x8x384xbf16, #tpu.memory_space<vmem>> -> memref<1x8x384xbf16, #tpu.memory_space<vmem>>
    %dma_wait3A_161 = tpu.memref_squeeze %dma_wait3A_160 : memref<1x8x384xbf16, #tpu.memory_space<vmem>> -> memref<8x384xbf16, #tpu.memory_space<vmem>>
    tpu.wait_dma2 semaphore(%arg24 : memref<!tpu.dma_semaphore, #tpu.memory_space<semaphore_mem>>) src(%dma_wait3A_161 : memref<8x384xbf16, #tpu.memory_space<vmem>>) dst(%dma_wait3A_157 : memref<8x384xbf16, #tpu.memory_space<hbm>>)
    %dma_wait3A_162 = arith.constant 1 : i32
    %dma_wait3A_163 = arith.constant 0 : i32
    %dma_wait3A_164 = arith.constant 0 : i32
    %dma_wait3A_165 = arith.constant 0 : i32
    %dma_wait3A_166 = tpu.memref_slice %arg16[%dma_wait3A_162, %dma_wait3A_164, %dma_wait3A_165] : memref<2x8x384xbf16, #tpu.memory_space<vmem>> -> memref<1x8x384xbf16, #tpu.memory_space<vmem>>
    %dma_wait3A_167 = tpu.memref_squeeze %dma_wait3A_166 : memref<1x8x384xbf16, #tpu.memory_space<vmem>> -> memref<8x384xbf16, #tpu.memory_space<vmem>>
    %dma_wait3A_168 = arith.constant 0 : i32
    %dma_wait3A_169 = arith.constant 0 : i32
    %dma_wait3A_170 = tpu.memref_slice %arg9[%dma_wait3A_163, %dma_wait3A_168, %dma_wait3A_169] : memref<64x129x768xbf16, #tpu.memory_space<hbm>> -> memref<1x8x384xbf16, #tpu.memory_space<hbm>>
    %dma_wait3A_171 = tpu.memref_squeeze %dma_wait3A_170 : memref<1x8x384xbf16, #tpu.memory_space<hbm>> -> memref<8x384xbf16, #tpu.memory_space<hbm>>
    %dma_wait3A_172 = arith.constant 0 : i32
    %dma_wait3A_173 = arith.constant 0 : i32
    %dma_wait3A_174 = tpu.memref_slice %arg9[%dma_wait3A_163, %dma_wait3A_172, %dma_wait3A_173] : memref<64x129x768xbf16, #tpu.memory_space<hbm>> -> memref<1x8x384xbf16, #tpu.memory_space<hbm>>
    %dma_wait3A_175 = tpu.memref_squeeze %dma_wait3A_174 : memref<1x8x384xbf16, #tpu.memory_space<hbm>> -> memref<8x384xbf16, #tpu.memory_space<hbm>>
    %dma_wait3A_176 = arith.constant 0 : i32
    %dma_wait3A_177 = arith.constant 0 : i32
    %dma_wait3A_178 = tpu.memref_slice %arg16[%dma_wait3A_162, %dma_wait3A_176, %dma_wait3A_177] : memref<2x8x384xbf16, #tpu.memory_space<vmem>> -> memref<1x8x384xbf16, #tpu.memory_space<vmem>>
    %dma_wait3A_179 = tpu.memref_squeeze %dma_wait3A_178 : memref<1x8x384xbf16, #tpu.memory_space<vmem>> -> memref<8x384xbf16, #tpu.memory_space<vmem>>
    tpu.wait_dma2 semaphore(%arg25 : memref<!tpu.dma_semaphore, #tpu.memory_space<semaphore_mem>>) src(%dma_wait3A_179 : memref<8x384xbf16, #tpu.memory_space<vmem>>) dst(%dma_wait3A_175 : memref<8x384xbf16, #tpu.memory_space<hbm>>)
    %dma_wait3A_180 = arith.constant 0 : i32
    %dma_wait3A_181 = arith.constant 0 : i32
    %dma_wait3A_182 = arith.constant 0 : i32
    %dma_wait3A_183 = tpu.memref_slice %arg9[%dma_wait3A_180, %dma_wait3A_181, %dma_wait3A_182] : memref<64x129x768xbf16, #tpu.memory_space<hbm>> -> memref<1x1x384xbf16, #tpu.memory_space<hbm>>
    %dma_wait3A_184 = tpu.memref_squeeze %dma_wait3A_183 : memref<1x1x384xbf16, #tpu.memory_space<hbm>> -> memref<1x384xbf16, #tpu.memory_space<hbm>>
    %dma_wait3A_185 = arith.constant 0 : i32
    %dma_wait3A_186 = arith.constant 0 : i32
    %dma_wait3A_187 = tpu.memref_slice %arg9[%dma_wait3A_180, %dma_wait3A_185, %dma_wait3A_186] : memref<64x129x768xbf16, #tpu.memory_space<hbm>> -> memref<1x1x384xbf16, #tpu.memory_space<hbm>>
    %dma_wait3A_188 = tpu.memref_squeeze %dma_wait3A_187 : memref<1x1x384xbf16, #tpu.memory_space<hbm>> -> memref<1x384xbf16, #tpu.memory_space<hbm>>
    tpu.wait_dma2 semaphore(%arg21 : memref<!tpu.dma_semaphore, #tpu.memory_space<semaphore_mem>>) src(%arg17 : memref<1x384xbf16, #tpu.memory_space<vmem>>) dst(%dma_wait3A_188 : memref<1x384xbf16, #tpu.memory_space<hbm>>)
    %dma_wait3A_189 = arith.constant 0 : i32
    %dma_wait3A_190 = arith.constant 0 : i32
    %dma_wait3A_191 = arith.constant 0 : i32
    %dma_wait3A_192 = tpu.memref_slice %arg9[%dma_wait3A_189, %dma_wait3A_190, %dma_wait3A_191] : memref<64x129x768xbf16, #tpu.memory_space<hbm>> -> memref<1x1x384xbf16, #tpu.memory_space<hbm>>
    %dma_wait3A_193 = tpu.memref_squeeze %dma_wait3A_192 : memref<1x1x384xbf16, #tpu.memory_space<hbm>> -> memref<1x384xbf16, #tpu.memory_space<hbm>>
    %dma_wait3A_194 = arith.constant 0 : i32
    %dma_wait3A_195 = arith.constant 0 : i32
    %dma_wait3A_196 = tpu.memref_slice %arg9[%dma_wait3A_189, %dma_wait3A_194, %dma_wait3A_195] : memref<64x129x768xbf16, #tpu.memory_space<hbm>> -> memref<1x1x384xbf16, #tpu.memory_space<hbm>>
    %dma_wait3A_197 = tpu.memref_squeeze %dma_wait3A_196 : memref<1x1x384xbf16, #tpu.memory_space<hbm>> -> memref<1x384xbf16, #tpu.memory_space<hbm>>
    tpu.wait_dma2 semaphore(%arg21 : memref<!tpu.dma_semaphore, #tpu.memory_space<semaphore_mem>>) src(%arg17 : memref<1x384xbf16, #tpu.memory_space<vmem>>) dst(%dma_wait3A_197 : memref<1x384xbf16, #tpu.memory_space<hbm>>)
    %dma_wait3A_198 = arith.constant 0 : i32
    %dma_wait3A_199 = arith.constant 0 : i32
    %dma_wait3A_200 = arith.constant 0 : i32
    %dma_wait3A_201 = tpu.memref_slice %arg9[%dma_wait3A_198, %dma_wait3A_199, %dma_wait3A_200] : memref<64x129x768xbf16, #tpu.memory_space<hbm>> -> memref<1x1x384xbf16, #tpu.memory_space<hbm>>
    %dma_wait3A_202 = tpu.memref_squeeze %dma_wait3A_201 : memref<1x1x384xbf16, #tpu.memory_space<hbm>> -> memref<1x384xbf16, #tpu.memory_space<hbm>>
    %dma_wait3A_203 = arith.constant 0 : i32
    %dma_wait3A_204 = arith.constant 0 : i32
    %dma_wait3A_205 = tpu.memref_slice %arg9[%dma_wait3A_198, %dma_wait3A_203, %dma_wait3A_204] : memref<64x129x768xbf16, #tpu.memory_space<hbm>> -> memref<1x1x384xbf16, #tpu.memory_space<hbm>>
    %dma_wait3A_206 = tpu.memref_squeeze %dma_wait3A_205 : memref<1x1x384xbf16, #tpu.memory_space<hbm>> -> memref<1x384xbf16, #tpu.memory_space<hbm>>
    tpu.wait_dma2 semaphore(%arg21 : memref<!tpu.dma_semaphore, #tpu.memory_space<semaphore_mem>>) src(%arg17 : memref<1x384xbf16, #tpu.memory_space<vmem>>) dst(%dma_wait3A_206 : memref<1x384xbf16, #tpu.memory_space<hbm>>)
    %dma_wait3A_207 = arith.constant 0 : i32
    %dma_wait3A_208 = arith.constant 0 : i32
    %dma_wait3A_209 = arith.constant 0 : i32
    %dma_wait3A_210 = tpu.memref_slice %arg9[%dma_wait3A_207, %dma_wait3A_208, %dma_wait3A_209] : memref<64x129x768xbf16, #tpu.memory_space<hbm>> -> memref<1x1x384xbf16, #tpu.memory_space<hbm>>
    %dma_wait3A_211 = tpu.memref_squeeze %dma_wait3A_210 : memref<1x1x384xbf16, #tpu.memory_space<hbm>> -> memref<1x384xbf16, #tpu.memory_space<hbm>>
    %dma_wait3A_212 = arith.constant 0 : i32
    %dma_wait3A_213 = arith.constant 0 : i32
    %dma_wait3A_214 = tpu.memref_slice %arg9[%dma_wait3A_207, %dma_wait3A_212, %dma_wait3A_213] : memref<64x129x768xbf16, #tpu.memory_space<hbm>> -> memref<1x1x384xbf16, #tpu.memory_space<hbm>>
    %dma_wait3A_215 = tpu.memref_squeeze %dma_wait3A_214 : memref<1x1x384xbf16, #tpu.memory_space<hbm>> -> memref<1x384xbf16, #tpu.memory_space<hbm>>
    tpu.wait_dma2 semaphore(%arg21 : memref<!tpu.dma_semaphore, #tpu.memory_space<semaphore_mem>>) src(%arg17 : memref<1x384xbf16, #tpu.memory_space<vmem>>) dst(%dma_wait3A_215 : memref<1x384xbf16, #tpu.memory_space<hbm>>)
    return
  }
}

</mosaic_0001>

<sc_bundles>
// kernel: kernel.3.cloned.1.call-start
scs
__scs_entry_jumppad:
0x0: {  	(pc) =	sbr.rel $0x88, $3  }
0x1: {  	(tag) =	ssettag $0x0;
	lr =	simm.s32 $0x1  }
0x2: {  	[smem:$0x3F9A] =	sst lr;
	_ =	strace $0xD0000000  }
0x3: {  	_ = 	snop  }
0x4: {  	_ = 	snop  }
0x5: {  	_ = 	snop  }
0x6: {  	_ = 	snop  }
0x7: {  	_ = 	snop  }
__scs_overlays_trampoline_lowered:
0x8: {  	[smem:$0x3FA9] =	sst s0  }
0x9: {  	[smem:$0x3FAA] =	sst s1  }
0xa: {  	[smem:$0x3FAB] =	sst s2  }
0xb: {  	[smem:$0x3FAC] =	sst s3  }
0xc: {  	[smem:$0x3FAD] =	sst s4  }
0xd: {  	[smem:$0x3FAE] =	sst s5  }
0xe: {  	[smem:$0x3FAF] =	sst s6  }
0xf: {  	[smem:$0x3FB0] =	sst s7  }
0x10: {  	[smem:$0x3FB1] =	sst s8  }
0x11: {  	[smem:$0x3FB2] =	sst s9;
	s0 =	simm.s32 @!p0 $0x0  }
0x12: {  	s1 =	sld [smem:$0x3F98];
	s0 =	simm.s32 @p0 $0x1  }
0x13: {  	[smem:$0x3FB3] =	sst s0;
	s0 =	simm.s32 @!p1 $0x0  }
0x14: {  	s2 =	sld [smem:$0x3F97];
	s0 =	simm.s32 @p1 $0x1  }
0x15: {  	[smem:$0x3FB4] =	sst s0;
	s0 =	simm.s32 @!p2 $0x0  }
0x16: {  	s3 =	sld [smem:$0x3FDB];
	s0 =	simm.s32 @p2 $0x1  }
0x17: {  	s4 =	simm.s32 $0x1BF5;
	[smem:$0x3FB6] =	sst s0  }
0x18: {  	s0 =	sld [smem:$0x3F99];
	_ =	swait.ge [sflag:s4], $0x0  }
0x19: {  	s7 =	sld [smem:$0x3F9A]  }
0x1a: {  	s8 =	sadd.s32 $0xFFFFE003, lr  }
0x1b: {  	s9 =	sadd.s32 $0xFFFFFEF7, lr;
	s5 =	simm.s32 $0xFFFFFFFF;
	p2 =	slt.u32 s8, $0xFFFFF086  }
0x1c: {  	p1 =	slt.u32 s9, $0xF7A;
	s5 =	simm.s32 @!p2 $0x0  }
0x1d: {  	s5 =	simm.s32 @p1 $0x1;
	p0 =	seq.s32 s7, s2  }
0x1e: {  	s7 =	smul.u32 @!p0 $0xF7A, s2;
	p2 =	seq.s32 @!p0 s5, $0x0  }
0x1f: {  	s9 =	smul.u32 $0xF7A, s1;
	s8 =	simm.s32 @!p0 $0x1BF5;
	p2 =	por !p2, p0  }
0x20: {  	[sflag:s8] =	ssyncset.s32 @!p0 $0xFFFFF086;
	s6 =	sadd.s32 @!p0 s3, s7;
	s7 =	simm.s32 @!p0 $0x108  }
0x21: {  	s3 =	sadd.s32 s3, s9;
	s6 =	sadd.s32 @!p0 $0x88, s6;
	s7 =	simm.s32 @p2 $0x1082  }
0x22: {  	[simem:s7], [sflag:s8] =	dma.local @!p0 [hbm:s6], $0xF7A  }
0x23: {  	s9 =	sor.u32 $0xD0000000, s2;
	s6 =	simm.s32 $0x108;
	_ =	swait.ge @!p0 [sflag:s8], $0x0  }
0x24: {  	s3 =	sadd.s32 $0x88, s3;
	s6 =	simm.s32 @!p1 $0x1082;
	[sflag:s4] =	ssyncset.s32 $0xFFFFF086  }
0x25: {  	[simem:s6], [sflag:s4] =	dma.local [hbm:s3], $0xF7A  }
0x26: {  	[smem:$0x3F9A] =	sst s1;
	(tag) =	ssettag s2;
	_ =	strace s9  }
0x27: {  	s1 =	sld [smem:$0x3FAA]  }
0x28: {  	s2 =	sld [smem:$0x3FAB]  }
0x29: {  	s4 =	sld [smem:$0x3FAD]  }
0x2a: {  	p0 =	seq.s32 s5, $0x0;
	s5 =	sld [smem:$0x3FAE]  }
0x2b: {  	s6 =	sld [smem:$0x3FAF]  }
0x2c: {  	s7 =	sld [smem:$0x3FB0]  }
0x2d: {  	s3 =	simm.s32 $0x108;
	s8 =	sld [smem:$0x3FB1]  }
0x2e: {  	s3 =	simm.s32 @!p0 $0x1082;
	s9 =	sld [smem:$0x3FB2]  }
0x2f: {  	lr =	sadd.s32 s0, s3;
	s0 =	sld [smem:$0x3FA9]  }
0x30: {  	s3 =	sld [smem:$0x3FAC]  }
0x31: {  	[smem:$0x3FB5] =	sst s10  }
0x32: {  	s10 =	sld [smem:$0x3FB3];
	_ =	sdelay $0x3  }
0x33: {  	p0 =	seq.s32 s10, $0x1;
	s10 =	sld [smem:$0x3FB5];
	_ =	sdelay $0x3  }
0x34: {  	[smem:$0x3FB5] =	sst s10  }
0x35: {  	s10 =	sld [smem:$0x3FB4];
	_ =	sdelay $0x3  }
0x36: {  	p1 =	seq.s32 s10, $0x1;
	s10 =	sld [smem:$0x3FB5];
	_ =	sdelay $0x3  }
0x37: {  	[smem:$0x3FB5] =	sst s10  }
0x38: {  	s10 =	sld [smem:$0x3FB6]  }
0x39: {  	_ = 	snop;
	(pc) =	sbr.ind lr, $3  }
0x3a: {  	_ = 	snop  }
0x3b: {  	_ = 	snop  }
0x3c: {  	p2 =	seq.s32 s10, $0x1;
	s10 =	sld [smem:$0x3FB5]  }
0x3d: {  	_ =	shalt  }
0x3e: {  	_ =	shalt  }
0x3f: {  	_ =	shalt  }
0x40: {  	_ =	shalt  }
0x41: {  	_ =	shalt  }
0x42: {  	_ =	shalt  }
0x43: {  	_ =	shalt  }
0x44: {  	_ =	shalt  }
0x45: {  	_ =	shalt  }
0x46: {  	_ =	shalt  }
0x47: {  	_ =	shalt  }
0x48: {  	_ =	shalt  }
0x49: {  	_ =	shalt  }
0x4a: {  	_ =	shalt  }
0x4b: {  	_ =	shalt  }
0x4c: {  	_ =	shalt  }
0x4d: {  	_ =	shalt  }
0x4e: {  	_ =	shalt  }
0x4f: {  	_ =	shalt  }
0x50: {  	_ =	shalt  }
0x51: {  	_ =	shalt  }
0x52: {  	_ =	shalt  }
0x53: {  	_ =	shalt  }
0x54: {  	_ =	shalt  }
0x55: {  	_ =	shalt  }
0x56: {  	_ =	shalt  }
0x57: {  	_ =	shalt  }
0x58: {  	_ =	shalt  }
0x59: {  	_ =	shalt  }
0x5a: {  	_ =	shalt  }
0x5b: {  	_ =	shalt  }
0x5c: {  	_ =	shalt  }
0x5d: {  	_ =	shalt  }
0x5e: {  	_ =	shalt  }
0x5f: {  	_ =	shalt  }
0x60: {  	_ =	shalt  }
0x61: {  	_ =	shalt  }
0x62: {  	_ =	shalt  }
0x63: {  	_ =	shalt  }
0x64: {  	_ =	shalt  }
0x65: {  	_ =	shalt  }
0x66: {  	_ =	shalt  }
0x67: {  	_ =	shalt  }
0x68: {  	_ =	shalt  }
0x69: {  	_ =	shalt  }
0x6a: {  	_ =	shalt  }
0x6b: {  	_ =	shalt  }
0x6c: {  	_ =	shalt  }
0x6d: {  	_ =	shalt  }
0x6e: {  	_ =	shalt  }
0x6f: {  	_ =	shalt  }
0x70: {  	_ =	shalt  }
0x71: {  	_ =	shalt  }
0x72: {  	_ =	shalt  }
0x73: {  	_ =	shalt  }
0x74: {  	_ =	shalt  }
0x75: {  	_ =	shalt  }
0x76: {  	_ =	shalt  }
0x77: {  	_ =	shalt  }
0x78: {  	_ =	shalt  }
0x79: {  	_ =	shalt  }
0x7a: {  	_ =	shalt  }
0x7b: {  	_ =	shalt  }
0x7c: {  	_ =	shalt  }
0x7d: {  	_ =	shalt  }
0x7e: {  	_ =	shalt  }
0x7f: {  	_ =	shalt  }
0x80: {  	_ =	shalt  }
0x81: {  	_ =	shalt  }
0x82: {  	_ =	shalt  }
0x83: {  	_ =	shalt  }
0x84: {  	_ =	shalt  }
0x85: {  	_ =	shalt  }
0x86: {  	_ =	shalt  }
0x87: {  	_ =	shalt  }
.Lfunc_end0:
.L_simem_size_0:
called_computation_lowered:
.L_overlay_start_0:
0x88: {  	s2 =	sld [smem:$0x3FD9]  }
0x89: {  	s3 =	sld [smem:$0x3FFE];
	_ =	sdelay $0x1  }
0x8a: {  	s1 =	srdreg.scid  }
0x8b: {  	s0 =	sand.u32 $0x1, s1  }
0x8c: {  	s17 =	sshll.u32 s0, $0xA;
	s2 =	sadd.s32 s3, s2  }
0x8d: {  	s2 =	sadd.s32 s2, s17  }
0x8e: {  	[smem:$0x3FC1] =	sst s2  }
0x8f: {  	_ = 	snop  }
0x90: {  	s2 =	sld [smem:$0x3FC8]  }
0x91: {  	s18 =	sld [smem:$0x3FC7]  }
0x92: {  	s4 =	sld [smem:$0x3FD0];
	(tm) =	ssettm $0x1  }
0x93: {  	s5 =	sld [smem:$0x3FFB];
	_ =	sdelay $0x3  }
0x94: {  	_ =	strace s5  }
0x95: {  	s5 =	sld [smem:$0x3FFC];
	_ =	sdelay $0x3  }
0x96: {  	_ =	strace s5  }
0x97: {  	s5 =	sld [smem:$0x3FFD];
	_ =	sdelay $0x3  }
0x98: {  	_ =	strace s5  }
0x99: {  	_ =	strace $0x8FFFFFFF  }
0x9a: {  	s19 =	sld [smem:$0x3FDB];
	_ =	sdelay $0x1  }
0x9b: {  	s6 =	simm.s32 $_scs_section_size  }
0x9c: {  	s7 =	simm.s32 $_size__tile_overlayer_lowered;
	s8 =	simm.s32 $_tile_overlayer_lowered  }
0x9d: {  	s22 =	simm.s32 $0x1BFF;
	s21 =	sshll.u32 s8, $0x1;
	s5 =	sadd.s32 s6, s19  }
0x9e: {  	s9 =	simm.s32 $0x0;
	s20 =	sshll.u32 s7, $0x1;
	s7 =	sadd.s32 s21, s5  }
0x9f: {  	[timem:s9], [sflag:s22] =	dma.local [hbm:s7], s20  }
0xa0: {  	_ =	swait.ge [sflag:s22], s20  }
0xa1: {  	s6 =	ssub.s32 $0x0, s20;
	[sflag:s22] =	ssyncset.done $0x0  }
0xa2: {  	[sflag:s22] =	ssyncadd.s32 s6;
	_ =	sdelay $0x1  }
0xa3: {  	s23 =	simm.s32 $0x1B8B  }
0xa4: {  	_ =	swait.ge [sflag:s23], $0x1  }
0xa5: {  	[sflag:s23] =	ssyncset.done $0x0  }
0xa6: {  	s25 =	simm.s32 $0x1B8E;
	s24 =	sld [smem:$0x3FFE];
	[sflag:s23] =	ssyncadd.s32 $0xFFFFFFFF  }
0xa7: {  	s26 =	simm.s32 $execute0_lowered;
	[smem:$0x3FD2] =	sst s25  }
0xa8: {  	s7 =	sshll.u32 s26, $0x1;
	_ =	strace $0x80000046;
	[dreg:$0x1] =	wrdreg $0xFFFFFFFF  }
0xa9: {  	s28 =	simm.s32 $_size_execute0_lowered;
	s5 =	sadd.s32 s5, s7;
	[dreg:$0x0] =	wrdreg $0x0  }
0xaa: {  	s7 =	sshll.u32 s28, $0x1;
	[dreg:$0x2] =	wrdreg s5  }
0xab: {  	[dreg:$0x3] =	wrdreg s7  }
0xac: {  	[dreg:$0x4] =	wrdreg $0xC0  }
0xad: {  	_ =	task [dreg:s9], $0x5FFFF  }
0xae: {  	[dreg:$0x1] =	wrdreg $0xFFFFFFFF  }
0xaf: {  	[dreg:$0x0] =	wrdreg $0x60  }
0xb0: {  	[dreg:$0x2] =	wrdreg s24  }
0xb1: {  	[dreg:$0x3] =	wrdreg s2  }
0xb2: {  	[dreg:$0x4] =	wrdreg s18  }
0xb3: {  	[dreg:$0x5] =	wrdreg s4  }
0xb4: {  	[dreg:$0x6] =	wrdreg $0xA6C00  }
0xb5: {  	[dreg:$0x7] =	wrdreg $0x17ED00  }
0xb6: {  	[dreg:$0x8] =	wrdreg $0x196D00  }
0xb7: {  	[dreg:$0x9] =	wrdreg $0x9  }
0xb8: {  	_ =	task.clear_ibuf [dreg:s9], $0xAFFFF;
	_ =	strace $0x90000046  }
0xb9: {  	s29 =	simm.s32 $0x9;
	_ =	strace $0x80000048  }
0xba: {  	_ =	swait.ge [sflag:s29], $0x1  }
0xbb: {  	[sflag:s29] =	ssyncadd.s32 $0xFFFFFFFF  }
0xbc: {  	_ =	strace $0x90000048  }
0xbd: {  	_ =	sfence  }
0xbe: {  	s30 =	sld [smem:$0x0];
	_ =	sdelay $0x2  }
0xbf: {  	s31 =	sshll.u32 s1, $0xD;
	s1 =	sshrl.u32 s1, $0x2  }
0xc0: {  	s3 =	sand.u32 $0x4000, s31;
	s1 =	sadd.s32 s1, s30  }
0xc1: {  	s0 =	sor.u32 s3, s0;
	s1 =	sshll.u32 s1, $0x11  }
0xc2: {  	s0 =	sor.u32 s1, s0  }
0xc3: {  	s0 =	sadd.s32 $0x8F2B, s0  }
0xc4: {  	[sflag:s0] =	ssyncadd.remote.s32 $0x1  }
0xc5: {  	_ =	sfence.sel $0xFFFF  }
0xc6: {  	[dreg:$0x0] =	wrdreg $0xFFFFFFFF;
	(pc) =	sbr.abs _section_cstart, $3  }
0xc7: {  	[dreg:$0x1] =	wrdreg $0xFFFFFFFF  }
0xc8: {  	_ =	task.clear_ibuf [dreg:s9], $0x2FFFF;
	_ =	strace $0x9FFFFFFF  }
0xc9: {  	(tm) =	ssettm $0x7FFFFFFF  }
tec
execute0_lowered:
.L_overlay_start_1:
0x0: {  	(tag) =	ssettag $0x1  }
0x1: {  	s2 =	rddreg [dreg:$0x0]  }
0x2: {  	s6 =	rddreg [dreg:$0x1]  }
0x3: {  	s7 =	rddreg [dreg:$0x2]  }
0x4: {  	s0 =	rddreg [dreg:$0x3]  }
0x5: {  	s1 =	rddreg [dreg:$0x4]  }
0x6: {  	s8 =	stileid.u32;
	s4 =	srdreg.scid  }
0x7: {  	s3 =	rddreg [dreg:$0x5];
	s5 =	simm.s32 $0x0;
	s9 =	smul.u32 $0x240, s8  }
0x8: {  	s10 =	sand.u32 $0x1, s4;
	s4 =	rddreg [dreg:$0x6];
	s12 =	smul.u32 $0x6000, s8  }
0x9: {  	[smem:$0x7FF] =	sst s5;
	s16 =	smul.u32 $0x36000, s8  }
0xa: {  	s13 =	sadd.s32 $0xEA00, s2;
	s17 =	smul.u32 $0x3000, s8;
	s18 =	sshll.u32 s8, $0x6  }
0xb: {  	p0 =	sne.s32 s8, $0x0;
	s11 =	smul.u32 $0x180, s10;
	_ =	strace $0x80000047  }
0xc: {  	s10 =	ssub.s32 $0x2, s10;
	s29 =	sor.u32 $0x1C01, s18;
	s6 =	sadd.s32 s6, s18  }
0xd: {  	s20 =	sadd.s32 s7, s18;
	s18 =	simm.s32 $0x3;
	[dreg:$0x9] =	wrdreg s29  }
0xe: {  	s9 =	sadd.s32 s9, s2;
	s15 =	sshrl.u32 s10, $0x1;
	[dreg:$0xe] =	wrdreg s6  }
0xf: {  	s30 =	sshrl.u32 s17, $0x1;
	[dreg:$0xf] =	wrdreg s20;
	s12 =	sor.u32 s11, s12  }
0x10: {  	s14 =	sshrl.u32 s11, $0x4;
	s10 =	ssub.s32 s10, s15;
	s28 =	sor.u32 s11, s16  }
0x11: {  	s16 =	sshrl.u32 s16, $0x2;
	s17 =	sadd.s32 s30, s3;
	s31 =	sadd.s32 s30, s4  }
0x12: {  	s9 =	sadd.s32 $0xC600, s9;
	s20 =	sadd.s32 $0x300, s11;
	s12 =	sshrl.u32 s12, $0x4  }
0x13: {  	s16 =	sadd.s32 s16, s1;
	s15 =	sshrl.u32 s28, $0x4;
	[dreg:$0xd] =	wrdreg s9  }
0x14: {  	s28 =	smax.u32 s10, $0x1;
	s30 =	sshrl.u32 s17, $0x3;
	s31 =	sshrl.u32 s31, $0x3  }
0x15: {  	s9 =	simm.s32 $0x8;
	s10 =	simm.s32 $0x4C00;
	[dreg:$0x15] =	wrdreg s28  }
0x16: {  	s17 =	simm.s32 $0x9A00;
	s12 =	sadd.s32 s12, s2;
	[dreg:$0x17] =	wrdreg s30  }
0x17: {  	s2 =	sadd.s32 s14, s2;
	s15 =	sadd.s32 s13, s15;
	[dreg:$0x18] =	wrdreg s31  }
0x18: {  	s13 =	sadd.s32 s14, s13;
	s29 =	sshrl.u32 s16, $0x3;
	[dreg:$0x8] =	wrdreg s15  }
0x19: {  	s14 =	sadd.s32 $0xD8000, s1;
	s19 =	sadd.s32 $0x600, s12;
	[dreg:$0x16] =	wrdreg s29  }
0x1a: {  	s12 =	sadd.s32 $0x6600, s12;
	s15 =	smul.u32 $0x60C00, s8;
	[dreg:$0xa] =	wrdreg s19  }
0x1b: {  	s2 =	sadd.s32 $0x400, s2;
	[dreg:$0xb] =	wrdreg s12;
	s12 =	sadd.s32 $0x36000, s13  }
0x1c: {  	[dreg:$0x10] =	wrdreg s2;
	s13 =	simm.s32 $0xC0;
	s19 =	simm.s32 $0xA000  }
0x1d: {  	[dreg:$0xc] =	wrdreg s12;
	s21 =	sor.u32 s11, s15;
	s15 =	sshll.u32 s8, $0x2  }
0x1e: {  	s8 =	simm.s32 $0x48;
	s11 =	simm.s32 $0x8800;
	s22 =	sshrl.u32 s21, $0x4  }
0x1f: {  	s12 =	simm.s32 $0x9400;
	s6 =	sadd.s32 $0x30600, s21;
	s23 =	sadd.s32 s0, s22  }
0x20: {  	s24 =	sshrl.u32 s6, $0x4;
	s25 =	sadd.s32 $0x1830, s23;
	[dreg:$0x11] =	wrdreg s23  }
0x21: {  	s6 =	simm.s32 $0x1;
	s2 =	sadd.s32 s0, s24;
	[dreg:$0x12] =	wrdreg s25  }
0x22: {  	s22 =	simm.s32 $0x5;
	s26 =	sadd.s32 $0x4890, s23;
	[dreg:$0x13] =	wrdreg s2  }
0x23: {  	s23 =	simm.s32 $0x0;
	[dreg:$0x14] =	wrdreg s26;
	s2 =	sshrl.u32 @!p0 s14, $0x3  }
0x24: {  	s26 =	simm.s32 $0x2;
	s14 =	simm.s32 $0x180;
	[dreg:$0x19] =	wrdreg s2  }
.LBB2_1:
0x25: {  	s2 =	rddreg [dreg:$0x8]  }
0x26: {  	s7 =	rddreg [dreg:$0x9]  }
0x27: {  	s16 =	rddreg [dreg:$0x16];
	s21 =	simm.s32 $0x18;
	s24 =	simm.s32 $0x30  }
0x28: {  	[spmem:s16@s21], [sflag:s7] =	dma.strided [hbm:s2@s24], $0x1B00, s26, $0xc   }
0x29: {  	s2 =	rddreg [dreg:$0xa]  }
0x2a: {  	s16 =	rddreg [dreg:$0x17]  }
0x2b: {  	[spmem:s16@s21], [sflag:s7] =	dma.strided [hbm:s2@s24], $0x300, s26, $0xc   }
0x2c: {  	s2 =	rddreg [dreg:$0xb]  }
0x2d: {  	s16 =	rddreg [dreg:$0x18]  }
0x2e: {  	[spmem:s16@s21], [sflag:s7] =	dma.strided [hbm:s2@s24], $0x300, s26, $0xc   }
0x2f: {  	s2 =	rddreg [dreg:$0xc]  }
0x30: {  	s16 =	rddreg [dreg:$0x19]  }
0x31: {  	[spmem:s16], [sflag:s7] =	dma.local @!p0 [hbm:s2], $0x18  }
0x32: {  	s2 =	rddreg [dreg:$0xd]  }
0x33: {  	[tilespmem:s5], [sflag:$0x1] =	stream.linear.gather [hbm4b:s2+s5], $0x1200, $0x38;
	[tilespmem:$0x1AED0] =	vst v63  }
0x34: {  	s7 =	simm.s32 $0x1200;
	s21 =	rddreg [dreg:$0xe]  }
0x35: {  	[tilespmem:s7], [sflag:$0x1] =	stream.linear.gather [hbm4b:s21+s5], $0x200, $0x38;
	[tilespmem:$0x1AED0] =	vst v63  }
0x36: {  	s16 =	simm.s32 $0x1400;
	s24 =	rddreg [dreg:$0xf]  }
0x37: {  	[tilespmem:s16], [sflag:$0x1] =	stream.linear.gather [hbm4b:s24+s5], $0x200, $0x38;
	[tilespmem:$0x1AED0] =	vst v63  }
0x38: {  	s28 =	simm.s32 $0xA600;
	s25 =	rddreg [dreg:$0x10]  }
0x39: {  	[tilespmem:s28], [sflag:$0x1] =	stream.linear.gather [hbm4b:s25+s5], $0xC0, $0x38;
	[tilespmem:$0x1AED0] =	vst v63  }
0x3a: {  	_ =	swait.ge [sflag:s6], $0x1B00  }
0x3b: {  	[sflag:s6] =	ssyncset.done $0x0  }
0x3c: {  	[sflag:s6] =	ssyncadd.s32 $0xFFFFE500  }
0x3d: {  	_ =	swait.ge [sflag:s6], $0x300  }
0x3e: {  	[sflag:s6] =	ssyncset.done $0x0  }
0x3f: {  	[sflag:s6] =	ssyncadd.s32 $0xFFFFFD00  }
0x40: {  	_ =	swait.ge [sflag:s6], $0x300  }
0x41: {  	[sflag:s6] =	ssyncset.done $0x0  }
0x42: {  	[sflag:s6] =	ssyncadd.s32 $0xFFFFFD00  }
0x43: {  	_ =	swait.ge [sflag:s6], $0x1200  }
0x44: {  	[sflag:s6] =	ssyncset.done $0x0  }
0x45: {  	[sflag:s6] =	ssyncadd.s32 $0xFFFFEE00  }
0x46: {  	_ =	swait.ge [sflag:s6], $0x200  }
0x47: {  	[sflag:s6] =	ssyncset.done $0x0  }
0x48: {  	[sflag:s6] =	ssyncadd.s32 $0xFFFFFE00  }
0x49: {  	_ =	swait.ge [sflag:s6], $0x200  }
0x4a: {  	[sflag:s6] =	ssyncset.done $0x0  }
0x4b: {  	[sflag:s6] =	ssyncadd.s32 $0xFFFFFE00  }
0x4c: {  	_ =	swait.ge [sflag:s6], $0xC0  }
0x4d: {  	[sflag:s6] =	ssyncset.done $0x0  }
0x4e: {  	s2 =	simm.s32 @!p0 $0x1;
	[sflag:s6] =	ssyncadd.s32 $0xFFFFFF40  }
0x4f: {  	_ =	swait.ge @!p0 [sflag:s2], $0x18  }
0x50: {  	[sflag:s2] =	ssyncset.done @!p0 $0x0  }
0x51: {  	[sflag:s2] =	ssyncadd.s32 @!p0 $0xFFFFFFE8  }
0x52: {  	[bflag:$0x0] =	sbarrier.arrive $0xFFFF  }
0x53: {  	s29 =	rddreg [dreg:$0x11]  }
0x54: {  	[hbm4b:s29+s5] =	stream.linear.scatter [tilespmem:s28], [sflag:$0x1], $0xC0, $0x38;
	[tilespmem:$0x1AED0] =	vst v63  }
0x55: {  	s31 =	rddreg [dreg:$0x12]  }
0x56: {  	[hbm4b:s31+s5] =	stream.linear.scatter [tilespmem:s28], [sflag:$0x1], $0xC0, $0x38;
	[tilespmem:$0x1AED0] =	vst v63  }
0x57: {  	s24 =	rddreg [dreg:$0x13]  }
0x58: {  	[hbm4b:s24+s5] =	stream.linear.scatter [tilespmem:s28], [sflag:$0x1], $0xC0, $0x38;
	[tilespmem:$0x1AED0] =	vst v63  }
0x59: {  	s25 =	rddreg [dreg:$0x14]  }
0x5a: {  	[hbm4b:s25+s5] =	stream.linear.scatter [tilespmem:s28], [sflag:$0x1], $0xC0, $0x38;
	[tilespmem:$0x1AED0] =	vst v63  }
0x5b: {  	s28 =	simm.s32 $0x1600  }
0x5c: {  	[tilespmem:s28], [sflag:$0x2] =	stream.indirect.gather [spmem:s1], $0xC0, s5, s8, $0xb8;
	[tilespmem:$0x1AED0] =	vst v63  }
0x5d: {  	s29 =	simm.s32 $0x8200  }
0x5e: {  	[tilespmem:s29], [sflag:$0x2] =	stream.indirect.gather [spmem:s3], $0xC0, s7, s9, $0xb8;
	[tilespmem:$0x1AED0] =	vst v63  }
0x5f: {  	s30 =	simm.s32 $0x0;
	s31 =	simm.s32 $0x8E00  }
0x60: {  	[tilespmem:s31], [sflag:$0x2] =	stream.indirect.gather [spmem:s4], $0xC0, s16, s9, $0xb8;
	[tilespmem:$0x1AED0] =	vst v63  }
.LBB2_2:
0x61: {  	_ =	swait.ge [sflag:s26], $0x3600  }
0x62: {  	[sflag:s26] =	ssyncset.done $0x0  }
0x63: {  	[sflag:s26] =	ssyncadd.s32 $0xFFFFCA00  }
0x64: {  	_ =	swait.ge [sflag:s26], $0x600  }
0x65: {  	[sflag:s26] =	ssyncset.done $0x0  }
0x66: {  	s24 =	sshllo.u32 s30, $0x1;
	[sflag:s26] =	ssyncadd.s32 $0xFFFFFA00  }
0x67: {  	s2 =	smul.u32 $0x120, s24;
	_ =	swait.ge [sflag:s26], $0x600  }
0x68: {  	[sflag:s26] =	ssyncset.done $0x0  }
0x69: {  	s25 =	sshll.u32 s24, $0x3;
	s2 =	sshra.s32 s2, $0x2;
	[sflag:s26] =	ssyncadd.s32 $0xFFFFFA00  }
0x6a: {  	[tilespmem:s10], [sflag:$0x3] =	stream.indirect.gather [spmem:s1], $0xC0, s2, s8, $0xb8;
	[tilespmem:$0x1AED0] =	vst v63  }
0x6b: {  	s7 =	sadd.s32 $0x1200, s25  }
0x6c: {  	[tilespmem:s11], [sflag:$0x3] =	stream.indirect.gather [spmem:s3], $0xC0, s7, s9, $0xb8;
	[tilespmem:$0x1AED0] =	vst v63  }
0x6d: {  	p1 =	seq.s32 s30, $0x0;
	s2 =	sadd.s32 $0x1400, s25  }
0x6e: {  	[tilespmem:s12], [sflag:$0x3] =	stream.indirect.gather [spmem:s4], $0xC0, s2, s9, $0xb8;
	[tilespmem:$0x1AED0] =	vst v63  }
0x6f: {  	s2 =	simm.s32 @!p1 $0x4  }
0x70: {  	s31 =	simm.s32 $0x0;
	s16 =	simm.s32 $0x9A00;
	_ =	swait.ge @!p1 [sflag:s2], $0x600  }
0x71: {  	s28 =	simm.s32 $0x8E00;
	s29 =	simm.s32 $0x8200;
	[sflag:s2] =	ssyncset.done @!p1 $0x0  }
0x72: {  	s21 =	simm.s32 $0x1900;
	s25 =	sshll.u32 s30, $0x1;
	[sflag:s2] =	ssyncadd.s32 @!p1 $0xFFFFFA00  }
.LBB2_3:
0x73: {  	v2 =	vmov s21;
	_ =	sdelay $0x3  }
0x74: {  	s2 =	simm.s32 $0x0  }
0x75: {  	v3 =	vmov s29;
	v1 =	vmov s28;
	v0 =	vmov s16;
	s7 =	simm.s32 $0x40;
	v4 =	vld.idx.msk [tilespmem:v2+s2+$0xFFFFFDC0 ss:$0x1], $0xffff  }
.LBB2_4:
0x76: {  	p1 =	sne.s32 s7, $0x2C0;
	v5 =	vld.idx.msk [tilespmem:v2+s2+$0xFFFFFD00 ss:$0x1], $0xffff;
	_ =	sdelay $0x1  }
0x77: {  	v6 =	vld.idx.msk [tilespmem:v2+s2+$0xFFFFFE80 ss:$0x1], $0xffff;
	_ =	sdelay $0x1  }
0x78: {  	v7 =	vld.idx.msk [tilespmem:v2+s2+$0xFFFFFF40 ss:$0x1], $0xffff;
	_ =	sdelay $0x1  }
0x79: {  	v4 =	vadd.bf16 v4, v5;
	v5 =	vld.idx.msk [tilespmem:v2+s2+$0x0 ss:$0x1], $0xffff;
	_ =	sdelay $0x1  }
0x7a: {  	v4 =	vadd.bf16 v6, v4;
	v6 =	vld.idx.msk [tilespmem:v2+s2+$0xC0 ss:$0x1], $0xffff;
	_ =	sdelay $0x1  }
0x7b: {  	v4 =	vadd.bf16 v7, v4;
	v7 =	vld.idx.msk [tilespmem:v2+s2+$0x180 ss:$0x1], $0xffff;
	_ =	sdelay $0x1  }
0x7c: {  	v4 =	vadd.bf16 v5, v4;
	v5 =	vld.idx.msk [tilespmem:v2+s2+$0x240 ss:$0x1], $0xffff;
	_ =	sdelay $0x1  }
0x7d: {  	v4 =	vadd.bf16 v6, v4;
	v6 =	vld.idx.msk [tilespmem:v2+s2+$0x300 ss:$0x1], $0xffff;
	_ =	sdelay $0x1  }
0x7e: {  	v4 =	vadd.bf16 v7, v4;
	v7 =	vld.idx.msk [tilespmem:v3+s2+$0x0 ss:$0x1], $0xffff;
	_ =	sdelay $0x1  }
0x7f: {  	v4 =	vadd.bf16 v5, v4;
	v5 =	vld.idx.msk [tilespmem:v1+s2+$0x0 ss:$0x1], $0xffff;
	_ =	sdelay $0x1  }
0x80: {  	v4 =	vadd.bf16 v6, v4;
	_ =	sdelay $0x1  }
0x81: {  	v4 =	vadd.bf16 v7, v4  }
.Ltmp0:
0x82: {  	(pc) =	sbr.rel @p1 .LBB2_4-.Ltmp0, $3  }
0x83: {  	v4 =	vadd.bf16 v5, v4;
	_ =	sdelay $0x1  }
0x84: {  	[tilespmem:v0+s2+$0x0 ss:$0x1] =	vst.idx.msk $0xffff, v4;
	s2 =	sshra.s32 s7, $0x2  }
0x85: {  	s7 =	sadd.s32 $0x40, s7;
	v4 =	vld.idx.msk [tilespmem:v2+s2+$0xFFFFFDC0 ss:$0x1], $0xffff  }
0x86: {  	_ =	sdelay $0x3  }
0x87: {  	v5 =	vld.idx.msk [tilespmem:v2+s2+$0xFFFFFD00 ss:$0x1], $0xffff;
	_ =	sdelay $0x1  }
0x88: {  	v6 =	vld.idx.msk [tilespmem:v2+s2+$0xFFFFFE80 ss:$0x1], $0xffff;
	_ =	sdelay $0x1  }
0x89: {  	v7 =	vld.idx.msk [tilespmem:v2+s2+$0xFFFFFF40 ss:$0x1], $0xffff  }
0x8a: {  	v4 =	vadd.bf16 v4, v5  }
0x8b: {  	v59 =	vld.idx.msk [tilespmem:v2+s2+$0x0 ss:$0x1], $0xffff  }
0x8c: {  	v4 =	vadd.bf16 v6, v4  }
0x8d: {  	v60 =	vld.idx.msk [tilespmem:v2+s2+$0xC0 ss:$0x1], $0xffff  }
0x8e: {  	v4 =	vadd.bf16 v7, v4  }
0x8f: {  	v61 =	vld.idx.msk [tilespmem:v2+s2+$0x180 ss:$0x1], $0xffff  }
0x90: {  	v4 =	vadd.bf16 v59, v4  }
0x91: {  	v62 =	vld.idx.msk [tilespmem:v2+s2+$0x240 ss:$0x1], $0xffff  }
0x92: {  	v4 =	vadd.bf16 v60, v4  }
0x93: {  	v63 =	vld.idx.msk [tilespmem:v2+s2+$0x300 ss:$0x1], $0xffff  }
0x94: {  	v4 =	vadd.bf16 v61, v4  }
0x95: {  	v3 =	vld.idx.msk [tilespmem:v3+s2+$0x0 ss:$0x1], $0xffff  }
0x96: {  	v4 =	vadd.bf16 v62, v4  }
0x97: {  	v1 =	vld.idx.msk [tilespmem:v1+s2+$0x0 ss:$0x1], $0xffff  }
0x98: {  	s31 =	sadd.s32 $0x1, s31;
	v2 =	vadd.bf16 v63, v4  }
0x99: {  	p1 =	sne.s32 s31, $0x8  }
.Ltmp1:
0x9a: {  	v2 =	vadd.bf16 v3, v2;
	(pc) =	sbr.rel @p1 .LBB2_3-.Ltmp1, $4  }
0x9b: {  	_ = 	snop  }
0x9c: {  	v1 =	vadd.bf16 v1, v2  }
0x9d: {  	s16 =	sadd.s32 $0xC0, s16  }
0x9e: {  	s28 =	sadd.s32 $0xC0, s28;
	s29 =	sadd.s32 $0xC0, s29;
	s21 =	sadd.s32 $0x6C0, s21;
	[tilespmem:v0+s2+$0x0 ss:$0x1] =	vst.idx.msk $0xffff, v1  }
0x9f: {  	s2 =	sshrl.u32 s30, $0x3;
	s7 =	sand.u32 $0xE, s25  }
0xa0: {  	s2 =	sadd.s32 s15, s2;
	s7 =	smul.u32 $0x1800, s7  }
0xa1: {  	s31 =	smul.u32 $0x18300, s2  }
0xa2: {  	s21 =	sor.u32 s7, s20  }
0xa3: {  	s2 =	sadd.s32 s31, s21  }
0xa4: {  	s2 =	sshrl.u32 s2, $0x4  }
0xa5: {  	s2 =	sadd.s32 s0, s2  }
0xa6: {  	[hbm4b:s2+s13] =	stream.strided.scatter [tilespmem:s17], [sflag:$0x4], $0x600, s14, s13, $0x38;
	[tilespmem:$0x1AED0] =	vst v63  }
0xa7: {  	_ =	swait.ge [sflag:s18], $0x3600  }
0xa8: {  	[sflag:s18] =	ssyncset.done $0x0  }
0xa9: {  	[sflag:s18] =	ssyncadd.s32 $0xFFFFCA00  }
0xaa: {  	_ =	swait.ge [sflag:s18], $0x600  }
0xab: {  	p1 =	seq.s32 s30, $0x1F;
	[sflag:s18] =	ssyncset.done $0x0  }
0xac: {  	s2 =	sadd.s32 @!p1 $0x2, s25;
	[sflag:s18] =	ssyncadd.s32 $0xFFFFFA00  }
0xad: {  	s7 =	smul.u32 @!p1 $0x120, s2;
	_ =	swait.ge [sflag:s18], $0x600  }
0xae: {  	s16 =	simm.s32 @!p1 $0x48;
	s21 =	simm.s32 @!p1 $0x1600;
	[sflag:s18] =	ssyncset.done $0x0  }
0xaf: {  	s2 =	sshll.u32 @!p1 s2, $0x3;
	s7 =	sshra.s32 @!p1 s7, $0x2;
	[sflag:s18] =	ssyncadd.s32 $0xFFFFFA00  }
0xb0: {  	[tilespmem:s21], [sflag:$0x2] =	stream.indirect.gather @!p1 [spmem:s1], $0xC0, s7, s16, $0xb8;
	[tilespmem:$0x1AED0] =	vst v63  }
0xb1: {  	s7 =	sadd.s32 @!p1 $0x1200, s2;
	s16 =	simm.s32 @!p1 $0x8;
	s21 =	simm.s32 @!p1 $0x8200  }
0xb2: {  	[tilespmem:s21], [sflag:$0x2] =	stream.indirect.gather @!p1 [spmem:s3], $0xC0, s7, s16, $0xb8;
	[tilespmem:$0x1AED0] =	vst v63  }
0xb3: {  	p2 =	seq.s32 @!p1 s30, $0x0;
	s2 =	sadd.s32 @!p1 $0x1400, s2;
	s7 =	simm.s32 @!p1 $0x8E00  }
0xb4: {  	[tilespmem:s7], [sflag:$0x2] =	stream.indirect.gather @!p1 [spmem:s4], $0xC0, s2, s16, $0xb8;
	[tilespmem:$0x1AED0] =	vst v63  }
0xb5: {  	p1 =	por p1, !p2  }
0xb6: {  	s28 =	simm.s32 $0x9400;
	_ =	swait.ge @p1 [sflag:s22], $0x600  }
0xb7: {  	s29 =	simm.s32 $0x8800;
	s25 =	simm.s32 $0x0;
	[sflag:s22] =	ssyncset.done @p1 $0x0  }
0xb8: {  	s21 =	simm.s32 $0x4C00;
	s16 =	simm.s32 $0xA000;
	[sflag:s22] =	ssyncadd.s32 @p1 $0xFFFFFA00  }
.LBB2_7:
0xb9: {  	v2 =	vmov s21;
	_ =	sdelay $0x3  }
0xba: {  	s2 =	simm.s32 $0x0  }
0xbb: {  	v3 =	vmov s29;
	v1 =	vmov s28;
	v0 =	vmov s16;
	s7 =	simm.s32 $0x40;
	v4 =	vld.idx.msk [tilespmem:v2+s2+$0xC0 ss:$0x1], $0xffff  }
.LBB2_8:
0xbc: {  	p1 =	sne.s32 s7, $0x2C0;
	v5 =	vld.idx.msk [tilespmem:v2+s2+$0x0 ss:$0x1], $0xffff;
	_ =	sdelay $0x1  }
0xbd: {  	v6 =	vld.idx.msk [tilespmem:v2+s2+$0x180 ss:$0x1], $0xffff;
	_ =	sdelay $0x1  }
0xbe: {  	v7 =	vld.idx.msk [tilespmem:v2+s2+$0x240 ss:$0x1], $0xffff;
	_ =	sdelay $0x1  }
0xbf: {  	v4 =	vadd.bf16 v4, v5;
	v5 =	vld.idx.msk [tilespmem:v2+s2+$0x300 ss:$0x1], $0xffff;
	_ =	sdelay $0x1  }
0xc0: {  	v4 =	vadd.bf16 v6, v4;
	v6 =	vld.idx.msk [tilespmem:v2+s2+$0x3C0 ss:$0x1], $0xffff;
	_ =	sdelay $0x1  }
0xc1: {  	v4 =	vadd.bf16 v7, v4;
	v7 =	vld.idx.msk [tilespmem:v2+s2+$0x480 ss:$0x1], $0xffff;
	_ =	sdelay $0x1  }
0xc2: {  	v4 =	vadd.bf16 v5, v4;
	v5 =	vld.idx.msk [tilespmem:v2+s2+$0x540 ss:$0x1], $0xffff;
	_ =	sdelay $0x1  }
0xc3: {  	v4 =	vadd.bf16 v6, v4;
	v6 =	vld.idx.msk [tilespmem:v2+s2+$0x600 ss:$0x1], $0xffff;
	_ =	sdelay $0x1  }
0xc4: {  	v4 =	vadd.bf16 v7, v4;
	v7 =	vld.idx.msk [tilespmem:v3+s2+$0x0 ss:$0x1], $0xffff;
	_ =	sdelay $0x1  }
0xc5: {  	v4 =	vadd.bf16 v5, v4;
	v5 =	vld.idx.msk [tilespmem:v1+s2+$0x0 ss:$0x1], $0xffff;
	_ =	sdelay $0x1  }
0xc6: {  	v4 =	vadd.bf16 v6, v4;
	_ =	sdelay $0x1  }
0xc7: {  	v4 =	vadd.bf16 v7, v4  }
.Ltmp2:
0xc8: {  	(pc) =	sbr.rel @p1 .LBB2_8-.Ltmp2, $3  }
0xc9: {  	v4 =	vadd.bf16 v5, v4;
	_ =	sdelay $0x1  }
0xca: {  	[tilespmem:v0+s2+$0x0 ss:$0x1] =	vst.idx.msk $0xffff, v4;
	s2 =	sshra.s32 s7, $0x2  }
0xcb: {  	s7 =	sadd.s32 $0x40, s7;
	v4 =	vld.idx.msk [tilespmem:v2+s2+$0xC0 ss:$0x1], $0xffff  }
0xcc: {  	_ =	sdelay $0x3  }
0xcd: {  	v5 =	vld.idx.msk [tilespmem:v2+s2+$0x0 ss:$0x1], $0xffff;
	_ =	sdelay $0x1  }
0xce: {  	v6 =	vld.idx.msk [tilespmem:v2+s2+$0x180 ss:$0x1], $0xffff;
	_ =	sdelay $0x1  }
0xcf: {  	v7 =	vld.idx.msk [tilespmem:v2+s2+$0x240 ss:$0x1], $0xffff  }
0xd0: {  	v4 =	vadd.bf16 v4, v5  }
0xd1: {  	v59 =	vld.idx.msk [tilespmem:v2+s2+$0x300 ss:$0x1], $0xffff  }
0xd2: {  	v4 =	vadd.bf16 v6, v4  }
0xd3: {  	v60 =	vld.idx.msk [tilespmem:v2+s2+$0x3C0 ss:$0x1], $0xffff  }
0xd4: {  	v4 =	vadd.bf16 v7, v4  }
0xd5: {  	v61 =	vld.idx.msk [tilespmem:v2+s2+$0x480 ss:$0x1], $0xffff  }
0xd6: {  	v4 =	vadd.bf16 v59, v4  }
0xd7: {  	v62 =	vld.idx.msk [tilespmem:v2+s2+$0x540 ss:$0x1], $0xffff  }
0xd8: {  	v4 =	vadd.bf16 v60, v4  }
0xd9: {  	v63 =	vld.idx.msk [tilespmem:v2+s2+$0x600 ss:$0x1], $0xffff  }
0xda: {  	v4 =	vadd.bf16 v61, v4  }
0xdb: {  	v3 =	vld.idx.msk [tilespmem:v3+s2+$0x0 ss:$0x1], $0xffff  }
0xdc: {  	v4 =	vadd.bf16 v62, v4  }
0xdd: {  	v1 =	vld.idx.msk [tilespmem:v1+s2+$0x0 ss:$0x1], $0xffff  }
0xde: {  	s25 =	sadd.s32 $0x1, s25;
	v2 =	vadd.bf16 v63, v4  }
0xdf: {  	p1 =	sne.s32 s25, $0x8  }
.Ltmp3:
0xe0: {  	v2 =	vadd.bf16 v3, v2;
	(pc) =	sbr.rel @p1 .LBB2_7-.Ltmp3, $4  }
0xe1: {  	_ = 	snop  }
0xe2: {  	v1 =	vadd.bf16 v1, v2  }
0xe3: {  	s16 =	sadd.s32 $0xC0, s16  }
0xe4: {  	s28 =	sadd.s32 $0xC0, s28;
	s29 =	sadd.s32 $0xC0, s29;
	s21 =	sadd.s32 $0x6C0, s21;
	[tilespmem:v0+s2+$0x0 ss:$0x1] =	vst.idx.msk $0xffff, v1  }
0xe5: {  	s2 =	sand.u32 $0xF, s24;
	s30 =	sadd.s32 $0x1, s30  }
0xe6: {  	s2 =	smul.u32 $0x1800, s2;
	p1 =	sne.s32 s30, $0x20  }
.Ltmp4:
0xe7: {  	s7 =	sadd.s32 s31, s20;
	(pc) =	sbr.rel @p1 .LBB2_2-.Ltmp4, $4  }
0xe8: {  	s2 =	sadd.s32 s2, s7  }
0xe9: {  	s2 =	sshrl.u32 s2, $0x4  }
0xea: {  	s2 =	sadd.s32 s0, s2  }
0xeb: {  	[hbm4b:s2+s13] =	stream.strided.scatter [tilespmem:s19], [sflag:$0x5], $0x600, s14, s13, $0x38;
	[tilespmem:$0x1AED0] =	vst v63  }
0xec: {  	s2 =	simm.s32 $0x4  }
0xed: {  	_ =	swait.ge [sflag:s2], $0x600  }
0xee: {  	[sflag:s2] =	ssyncset.done $0x0  }
0xef: {  	[sflag:s2] =	ssyncadd.s32 $0xFFFFFA00  }
0xf0: {  	_ =	swait.ge [sflag:s22], $0x600  }
0xf1: {  	[sflag:s22] =	ssyncset.done $0x0  }
0xf2: {  	[sflag:s22] =	ssyncadd.s32 $0xFFFFFA00  }
0xf3: {  	_ =	swait.ge [sflag:s6], $0xC0  }
0xf4: {  	[sflag:s6] =	ssyncset.done $0x0  }
0xf5: {  	[sflag:s6] =	ssyncadd.s32 $0xFFFFFF40  }
0xf6: {  	_ =	swait.ge [sflag:s6], $0xC0  }
0xf7: {  	[sflag:s6] =	ssyncset.done $0x0  }
0xf8: {  	[sflag:s6] =	ssyncadd.s32 $0xFFFFFF40  }
0xf9: {  	_ =	swait.ge [sflag:s6], $0xC0  }
0xfa: {  	[sflag:s6] =	ssyncset.done $0x0  }
0xfb: {  	[sflag:s6] =	ssyncadd.s32 $0xFFFFFF40  }
0xfc: {  	_ =	swait.ge [sflag:s6], $0xC0  }
0xfd: {  	s23 =	sadd.s32 $0x1, s23;
	s31 =	rddreg [dreg:$0x15]  }
0xfe: {  	p1 =	sne.s32 s23, s31  }
.Ltmp5:
0xff: {  	_ = 	snop;
	(pc) =	sbr.rel @p1 .LBB2_1-.Ltmp5, $3  }
0x100: {  	_ =	sdelay $0x1  }
0x101: {  	[sflag:s6] =	ssyncset.done $0x0  }
0x102: {  	[sflag:s6] =	ssyncadd.s32 $0xFFFFFF40  }
0x103: {  	_ =	sfence.sel $0x180000  }
0x104: {  	[bflag:$0x0] =	sbarrier.arrive $0xFFFF  }
0x105: {  	_ =	strace $0x90000047  }
0x106: {  	[bflag:$0x2] =	sbarrier.arrive $0xFFFF  }
0x107: {  	s0 =	rddreg [dreg:$0x7]  }
0x108: {  	s0 =	sadd.s32 @!p0 $0x100000, s0  }
0x109: {  	[sflag:s0] =	ssyncadd.tile.s32 @!p0 $0x1;
	_ =	shalt  }
.Lfunc_end2:
_tile_overlayer_lowered:
.L_overlay_start_2:
0x10a: {  	(tag) =	ssettag $0x2  }
0x10b: {  	s0 =	rddreg [dreg:$0x0];
	s2 =	stileid.u32  }
0x10c: {  	s1 =	rddreg [dreg:$0x1];
	p0 =	sne.s32 s2, $0x0  }
0x10d: {  	s3 =	rddreg [dreg:$0x2];
	[bflag:$0x3] =	sbarrier.arrive $0xFFFF;
	s2 =	simm.s32 @!p0 $0x1C06  }
0x10e: {  	[timem:s3], [sflag:s2] =	dma.local @!p0 [hbm:s0], s1  }
0x10f: {  	s0 =	simm.s32 @!p0 $0x6  }
0x110: {  	_ =	swait.ge @!p0 [sflag:s0], s1  }
0x111: {  	s1 =	ssub.s32 @!p0 $0x0, s1;
	[sflag:s0] =	ssyncset.done @!p0 $0x0  }
0x112: {  	[sflag:s0] =	ssyncadd.s32 @!p0 s1  }
0x113: {  	[bflag:$0x3] =	sbarrier.arrive $0xFFFF  }
0x114: {  	_ =	shalt  }

</sc_bundles>
